<compile_context>
chip_gen: v7x
topology: tpu7x:2x2x1
jax: 0.10.2.dev20260603
libtpu: 0.0.44.dev20260713+nightly
codegen_flags: <defaults>
</compile_context>

<pallas_src>
import jax
import jax.numpy as jnp
from jax import lax
from jax.experimental import pallas as pl
from jax.experimental.pallas import tpu as pltpu
from jax.experimental.pallas import tpu_sc as plsc

N = 32768
D = 32
NSEG = 16
NW = 16
CHUNK = N // NW
L = 16
G = CHUNK // L
NEG = float("-inf")

PACK = 4
MROWS = N // PACK
MK = D * PACK


def _tc_matvec(xt_ref, w_ref, u_ref):
    u_ref[...] = jnp.sum(xt_ref[...] * w_ref[...].T, axis=0) + 2.0


def _sc_softmax(u_hbm, ids_hbm, out_hbm, ub, idsb, lrb, allb, gb, ob, tb,
                totb, offsb, shmax, shsum):
    w = lax.axis_index("s")
    base = w * CHUNK
    pltpu.sync_copy(u_hbm.at[pl.ds(base, CHUNK)], ub)
    pltpu.sync_copy(ids_hbm.at[pl.ds(base, CHUNK)], idsb.at[pl.ds(0, CHUNK)])

    lanes = lax.iota(jnp.int32, L)
    idsb[pl.ds(CHUNK, L)] = jnp.full((L,), -1, jnp.int32)

    lrb[...] = jnp.full((L,), NEG, jnp.float32)
    lo = jnp.min(idsb[pl.ds(0, L)])
    hi = jnp.max(idsb[pl.ds(CHUNK - L, L)])

    def seg_max(s, carry):
        def g_body(g, maccs):
            new = []
            for k in range(4):
                sl = pl.ds((4 * g + k) * L, L)
                new.append(jnp.maximum(
                    maccs[k], jnp.where(idsb[sl] == s, ub[sl], NEG)))
            return tuple(new)
        init = tuple(jnp.full((L,), NEG, jnp.float32) for _ in range(4))
        maccs = lax.fori_loop(0, G // 4, g_body, init)
        m = jnp.max(jnp.maximum(jnp.maximum(maccs[0], maccs[1]),
                                jnp.maximum(maccs[2], maccs[3])))
        plsc.store_scatter(lrb, [jnp.full((L,), s, jnp.int32)],
                           jnp.full((L,), m, jnp.float32), mask=lanes == 0)
        return carry

    lax.fori_loop(lo, hi + 1, seg_max, 0)

    pltpu.sync_copy(lrb, shmax.at[pl.ds(w * NSEG, NSEG)])
    plsc.subcore_barrier()
    pltpu.sync_copy(shmax, allb)
    gm = allb[pl.ds(0, L)]
    for r in range(1, NW):
        gm = jnp.maximum(gm, allb[pl.ds(r * L, L)])
    gb[...] = gm

    lrb[...] = jnp.zeros((L,), jnp.float32)

    @plsc.parallel_loop(0, G, unroll=4)
    def pass_b1(g):
        sl = pl.ds(g * L, L)
        mseg = plsc.load_gather(gb, [idsb[sl]])
        ev = jnp.exp(ub[sl] - mseg)
        ub[sl] = ev
        plsc.store_scatter(totb, [jnp.full((L,), g, jnp.int32)],
                           jnp.full((L,), jnp.sum(ev), jnp.float32),
                           mask=lanes == 0)

    def prefix(k, carry):
        sl = pl.ds(k * L, L)
        tv = totb[sl]
        pc = plsc.cumsum(tv)
        tb[pl.ds(0, L)] = pc
        sh = plsc.load_gather(tb, [jnp.maximum(lanes - 1, 0)])
        excl = jnp.where(lanes == 0, 0.0, sh)
        offsb[sl] = carry + excl
        return carry + jnp.sum(tv)

    lax.fori_loop(0, G // L, prefix, jnp.zeros((L,), jnp.float32))

    @plsc.parallel_loop(0, G, unroll=4)
    def pass_b3(g):
        sl = pl.ds(g * L, L)
        idsv = idsb[sl]
        t = plsc.cumsum(ub[sl]) + plsc.load_gather(
            offsb, [jnp.full((L,), g, jnp.int32)])
        bmask = idsv != idsb[pl.ds(g * L + 1, L)]
        plsc.store_scatter(lrb, [idsv], t, mask=bmask)

    v = lrb[...]
    fwd = plsc.cummax(v)
    tb[pl.ds(0, L)] = fwd
    prev = plsc.load_gather(tb, [jnp.maximum(lanes - 1, 0)])
    prev = jnp.where(lanes == 0, 0.0, prev)
    lrb[...] = jnp.where(v == 0.0, 0.0, v - prev)

    pltpu.sync_copy(lrb, shsum.at[pl.ds(w * NSEG, NSEG)])
    plsc.subcore_barrier()
    pltpu.sync_copy(shsum, allb)
    gs = allb[pl.ds(0, L)]
    for r in range(1, NW):
        gs = gs + allb[pl.ds(r * L, L)]
    gb[...] = 1.0 / gs

    @plsc.parallel_loop(0, G, unroll=4)
    def pass_c(g):
        sl = pl.ds(g * L, L)
        rseg = plsc.load_gather(gb, [idsb[sl]])
        ob[sl] = ub[sl] * rseg

    pltpu.sync_copy(ob, out_hbm.at[pl.ds(base, CHUNK)])


def kernel(x, ids, W):
    ids32 = ids.astype(jnp.int32)

    u = pl.pallas_call(
        _tc_matvec,
        grid=(2,),
        in_specs=[pl.BlockSpec((D, N // 2), lambda i: (0, i)),
                  pl.BlockSpec((1, D), lambda i: (0, 0))],
        out_specs=pl.BlockSpec((N // 2,), lambda i: (i,)),
        out_shape=jax.ShapeDtypeStruct((N,), jnp.float32),
    )(x.T, W)

    mesh = plsc.VectorSubcoreMesh(
        core_axis_name="c", subcore_axis_name="s", num_cores=1,
        num_subcores=NW)
    soft = pl.kernel(
        _sc_softmax,
        out_type=jax.ShapeDtypeStruct((N,), jnp.float32),
        mesh=mesh,
        compiler_params=pltpu.CompilerParams(
            needs_layout_passes=False, disable_bounds_checks=True),
        scratch_types=[
            pltpu.VMEM((CHUNK,), jnp.float32),
            pltpu.VMEM((CHUNK + L,), jnp.int32),
            pltpu.VMEM((NSEG,), jnp.float32),
            pltpu.VMEM((NW * NSEG,), jnp.float32),
            pltpu.VMEM((NSEG,), jnp.float32),
            pltpu.VMEM((CHUNK,), jnp.float32),
            pltpu.VMEM((L,), jnp.float32),
            pltpu.VMEM((G,), jnp.float32),
            pltpu.VMEM((G,), jnp.float32),
            pltpu.VMEM_SHARED((NW * NSEG,), jnp.float32),
            pltpu.VMEM_SHARED((NW * NSEG,), jnp.float32),
        ],
    )(u, ids32)
    return soft[:, None]

# --- scband reference (transcript-rebuilt; emitter-appended) ---
"""Pipeline reference for scband-mnl-69260642615340 (READ-ONLY COPY).

The authoritative reference and input builder live on the scoring server;
editing this copy changes nothing except your own understanding.
"""

import jax, jax.numpy as jnp
import numpy as np

NUM_SEGMENTS = 16

def setup_inputs(seed: int = 0) -> dict:
    key = jax.random.key(seed)
    k1, k2, k3 = jax.random.split(key, 3)
    x = jax.random.normal(k1, (32768, 32), dtype=jnp.float32)
    ids = jnp.sort(jax.random.randint(k2, (32768,), 0, NUM_SEGMENTS, dtype=jnp.int64))
    # linear.weight of nn.Linear(32, 1, bias=False): shape [1, 32]
    W = jax.random.normal(k3, (1, 32), dtype=jnp.float32) * 0.1
    return {"x": x, "ids": ids, "W": W}

def reference(x, ids, W):
    # util_values = self.linear(x) + 2  -> [N, 1]
    util = jnp.dot(x, W.T) + 2.0          # [N, 1]
    u = util[:, 0]                         # transpose to [1, N] then segment ops along that axis
    seg = ids
    # per-session softmax (torch.unique + split + softmax per chunk), implemented
    # as a numerically-stable segment softmax over sorted segment ids
    m = jax.ops.segment_max(u, seg, num_segments=NUM_SEGMENTS)
    e = jnp.exp(u - m[seg])
    s = jax.ops.segment_sum(e, seg, num_segments=NUM_SEGMENTS)
    soft = e / s[seg]
    # torch.t(softmaxfx) -> [N, 1]
    return soft[:, None]

if __name__ == "__main__":
    import jax
    _d = setup_inputs()
    print(jax.jit(kernel)(*tuple(_d.values())))

</pallas_src>

<mosaic_0001>
#map = affine_map<(d0, d1) -> (0)>
module attributes {stable_mosaic.version = 14 : i64} {
  func.func @_sc_softmax(%arg0: i32, %arg1: i32, %arg2: memref<32768xf32, #tpu.memory_space<hbm>>, %arg3: memref<32768xi32, #tpu.memory_space<hbm>>, %arg4: memref<32768xf32, #tpu.memory_space<hbm>>, %arg5: memref<2048xf32, #tpu.memory_space<vmem>>, %arg6: memref<2064xi32, #tpu.memory_space<vmem>>, %arg7: memref<16xf32, #tpu.memory_space<vmem>>, %arg8: memref<256xf32, #tpu.memory_space<vmem>>, %arg9: memref<16xf32, #tpu.memory_space<vmem>>, %arg10: memref<2048xf32, #tpu.memory_space<vmem>>, %arg11: memref<16xf32, #tpu.memory_space<vmem>>, %arg12: memref<128xf32, #tpu.memory_space<vmem>>, %arg13: memref<128xf32, #tpu.memory_space<vmem>>, %arg14: memref<256xf32, #tpu.memory_space<vmem_shared>>, %arg15: memref<256xf32, #tpu.memory_space<vmem_shared>>) attributes {dimension_semantics = [#tpu.dimension_semantics<core_parallel>, #tpu.dimension_semantics<subcore_parallel>], iteration_bounds = array<i64: 1, 16>, scalar_prefetch = 0 : i64, scratch_operands = 11 : i64, tpu.core_type = #tpu.core_type<sc_vector_subcore>, window_params = [{transform_indices = #map}, {transform_indices = #map}, {transform_indices = #map}]} {
    %mul3A = arith.constant 2048 : i32
    %mul3A_0 = arith.muli %arg1, %mul3A : i32
    "tpu.region"() ({
      %run_scoped3A = tpu.sem_alloc : memref<!tpu.dma_semaphore, #tpu.memory_space<semaphore_mem>>
      %dma_start3A = tpu.memref_slice %arg2[%mul3A_0] : memref<32768xf32, #tpu.memory_space<hbm>> -> memref<2048xf32, #tpu.memory_space<hbm>>
      %dma_start3A_179 = tpu.memref_slice %arg2[%mul3A_0] : memref<32768xf32, #tpu.memory_space<hbm>> -> memref<2048xf32, #tpu.memory_space<hbm>>
      tpu.enqueue_dma source(%dma_start3A_179 : memref<2048xf32, #tpu.memory_space<hbm>>) target(%arg5 : memref<2048xf32, #tpu.memory_space<vmem>>) target_semaphore(%run_scoped3A : memref<!tpu.dma_semaphore, #tpu.memory_space<semaphore_mem>>)
      %dma_wait3A = tpu.memref_slice %arg2[%mul3A_0] : memref<32768xf32, #tpu.memory_space<hbm>> -> memref<2048xf32, #tpu.memory_space<hbm>>
      %dma_wait3A_180 = tpu.memref_slice %arg2[%mul3A_0] : memref<32768xf32, #tpu.memory_space<hbm>> -> memref<2048xf32, #tpu.memory_space<hbm>>
      tpu.wait_dma2 semaphore(%run_scoped3A : memref<!tpu.dma_semaphore, #tpu.memory_space<semaphore_mem>>) src(%dma_wait3A_180 : memref<2048xf32, #tpu.memory_space<hbm>>) dst(%arg5 : memref<2048xf32, #tpu.memory_space<vmem>>)
      tpu.yield
    }) : () -> ()
    "tpu.region"() ({
      %run_scoped3A = tpu.sem_alloc : memref<!tpu.dma_semaphore, #tpu.memory_space<semaphore_mem>>
      %dma_start3A = arith.constant 0 : i32
      %dma_start3A_179 = tpu.memref_slice %arg6[%dma_start3A] : memref<2064xi32, #tpu.memory_space<vmem>> -> memref<2048xi32, #tpu.memory_space<vmem>>
      %dma_start3A_180 = tpu.memref_slice %arg3[%mul3A_0] : memref<32768xi32, #tpu.memory_space<hbm>> -> memref<2048xi32, #tpu.memory_space<hbm>>
      %dma_start3A_181 = arith.constant 0 : i32
      %dma_start3A_182 = tpu.memref_slice %arg6[%dma_start3A_181] : memref<2064xi32, #tpu.memory_space<vmem>> -> memref<2048xi32, #tpu.memory_space<vmem>>
      %dma_start3A_183 = tpu.memref_slice %arg3[%mul3A_0] : memref<32768xi32, #tpu.memory_space<hbm>> -> memref<2048xi32, #tpu.memory_space<hbm>>
      tpu.enqueue_dma source(%dma_start3A_183 : memref<2048xi32, #tpu.memory_space<hbm>>) target(%dma_start3A_182 : memref<2048xi32, #tpu.memory_space<vmem>>) target_semaphore(%run_scoped3A : memref<!tpu.dma_semaphore, #tpu.memory_space<semaphore_mem>>)
      %dma_wait3A = arith.constant 0 : i32
      %dma_wait3A_184 = tpu.memref_slice %arg6[%dma_wait3A] : memref<2064xi32, #tpu.memory_space<vmem>> -> memref<2048xi32, #tpu.memory_space<vmem>>
      %dma_wait3A_185 = tpu.memref_slice %arg3[%mul3A_0] : memref<32768xi32, #tpu.memory_space<hbm>> -> memref<2048xi32, #tpu.memory_space<hbm>>
      %dma_wait3A_186 = arith.constant 0 : i32
      %dma_wait3A_187 = tpu.memref_slice %arg6[%dma_wait3A_186] : memref<2064xi32, #tpu.memory_space<vmem>> -> memref<2048xi32, #tpu.memory_space<vmem>>
      %dma_wait3A_188 = tpu.memref_slice %arg3[%mul3A_0] : memref<32768xi32, #tpu.memory_space<hbm>> -> memref<2048xi32, #tpu.memory_space<hbm>>
      tpu.wait_dma2 semaphore(%run_scoped3A : memref<!tpu.dma_semaphore, #tpu.memory_space<semaphore_mem>>) src(%dma_wait3A_188 : memref<2048xi32, #tpu.memory_space<hbm>>) dst(%dma_wait3A_187 : memref<2048xi32, #tpu.memory_space<vmem>>)
      tpu.yield
    }) : () -> ()
    %iota3A = tpu.iota {dimensions = array<i32: 0>} : vector<16xi32>
    %broadcast_in_dim3A = arith.constant -1 : i32
    %broadcast_in_dim3A_1 = vector.broadcast %broadcast_in_dim3A : i32 to vector<16xi32>
    %swap3A = arith.constant 2048 : index
    %swap3A_2 = tpu.vector_load %arg6[%swap3A] {strides = array<i32>} : memref<2064xi32, #tpu.memory_space<vmem>>, vector<16xi32>,
    tpu.vector_store %arg6[%swap3A], %broadcast_in_dim3A_1 {strides = array<i32>} : memref<2064xi32, #tpu.memory_space<vmem>>, vector<16xi32>,
    %broadcast_in_dim3A_3 = arith.constant 0xFF800000 : f32
    %broadcast_in_dim3A_4 = vector.broadcast %broadcast_in_dim3A_3 : f32 to vector<16xf32>
    %swap3A_5 = arith.constant 0 : index
    %swap3A_6 = tpu.vector_load %arg7[%swap3A_5] {strides = array<i32>} : memref<16xf32, #tpu.memory_space<vmem>>, vector<16xf32>,
    tpu.vector_store %arg7[%swap3A_5], %broadcast_in_dim3A_4 {strides = array<i32>} : memref<16xf32, #tpu.memory_space<vmem>>, vector<16xf32>,
    %get3A = arith.constant 0 : index
    %get3A_7 = tpu.vector_load %arg6[%get3A] {strides = array<i32>} : memref<2064xi32, #tpu.memory_space<vmem>>, vector<16xi32>,
    %reduce_min3A = arith.constant true
    %reduce_min3A_8 = vector.broadcast %reduce_min3A : i1 to vector<16xi1>
    %reduce_min3A_9 = arith.constant -2147483648 : i32
    %reduce_min3A_10 = vector.broadcast %reduce_min3A_9 : i32 to vector<16xi32>
    %reduce_min3A_11 = arith.xori %get3A_7, %reduce_min3A_10 : vector<16xi32>
    %reduce_min3A_12 = tpu.scan <min>, %reduce_min3A_11 masked %reduce_min3A_8 : vector<16xi32>, vector<16xi1> -> vector<16xi32>
    %reduce_min3A_13 = arith.xori %reduce_min3A_12, %reduce_min3A_10 : vector<16xi32>
    %reduce_min3A_14 = vector.extract %reduce_min3A_13[15] : i32 from vector<16xi32>
    %get3A_15 = arith.constant 2032 : index
    %get3A_16 = tpu.vector_load %arg6[%get3A_15] {strides = array<i32>} : memref<2064xi32, #tpu.memory_space<vmem>>, vector<16xi32>,
    %reduce_max3A = arith.constant true
    %reduce_max3A_17 = vector.broadcast %reduce_max3A : i1 to vector<16xi1>
    %reduce_max3A_18 = arith.constant -2147483648 : i32
    %reduce_max3A_19 = vector.broadcast %reduce_max3A_18 : i32 to vector<16xi32>
    %reduce_max3A_20 = arith.xori %get3A_16, %reduce_max3A_19 : vector<16xi32>
    %reduce_max3A_21 = tpu.scan <max>, %reduce_max3A_20 masked %reduce_max3A_17 : vector<16xi32>, vector<16xi1> -> vector<16xi32>
    %reduce_max3A_22 = arith.xori %reduce_max3A_21, %reduce_max3A_19 : vector<16xi32>
    %reduce_max3A_23 = vector.extract %reduce_max3A_22[15] : i32 from vector<16xi32>
    %add3A = arith.constant 1 : i32
    %add3A_24 = arith.addi %reduce_max3A_23, %add3A : i32
    %while3A = arith.constant 0 : i32
    %while3A_25 = arith.subi %add3A_24, %reduce_min3A_14 : i32
    %while3A_26 = arith.addi %reduce_min3A_14, %while3A_25 : i32
    %while3A_27 = arith.constant 1 : i32
    %while3A_28 = arith.divsi %while3A_25, %while3A_27 : i32
    %while3A_29 = arith.muli %while3A_28, %while3A_27 : i32
    %while3A_30 = arith.addi %reduce_min3A_14, %while3A_29 : i32
    %while3A_31 = arith.constant 1 : i32
    scf.for %while3A_179 = %reduce_min3A_14 to %while3A_30 step %while3A_31  : i32 {
      %broadcast_in_dim3A_180 = arith.constant 0xFF800000 : f32
      %broadcast_in_dim3A_181 = vector.broadcast %broadcast_in_dim3A_180 : f32 to vector<16xf32>
      %broadcast_in_dim3A_182 = arith.constant 0xFF800000 : f32
      %broadcast_in_dim3A_183 = vector.broadcast %broadcast_in_dim3A_182 : f32 to vector<16xf32>
      %broadcast_in_dim3A_184 = arith.constant 0xFF800000 : f32
      %broadcast_in_dim3A_185 = vector.broadcast %broadcast_in_dim3A_184 : f32 to vector<16xf32>
      %broadcast_in_dim3A_186 = arith.constant 0xFF800000 : f32
      %broadcast_in_dim3A_187 = vector.broadcast %broadcast_in_dim3A_186 : f32 to vector<16xf32>
      %scan3A_188 = arith.constant 0 : i32
      %scan3A_189 = arith.constant 32 : i32
      %scan3A_190 = arith.addi %scan3A_188, %scan3A_189 : i32
      %scan3A_191 = arith.constant 1 : i32
      %scan3A_192:4 = scf.for %scan3A_206 = %scan3A_188 to %scan3A_190 step %scan3A_191 iter_args(%scan3A_207 = %broadcast_in_dim3A_181, %scan3A_208 = %broadcast_in_dim3A_183, %scan3A_209 = %broadcast_in_dim3A_185, %scan3A_210 = %broadcast_in_dim3A_187) -> (vector<16xf32>, vector<16xf32>, vector<16xf32>, vector<16xf32>)  : i32 {
        %mul3A_211 = arith.constant 4 : i32
        %mul3A_212 = arith.muli %mul3A_211, %scan3A_206 : i32
        %add3A_213 = arith.constant 0 : i32
        %add3A_214 = arith.addi %mul3A_212, %add3A_213 : i32
        %mul3A_215 = arith.constant 16 : i32
        %mul3A_216 = arith.muli %add3A_214, %mul3A_215 : i32
        %get3A_217 = arith.index_cast %mul3A_216 : i32 to index
        %get3A_218 = tpu.vector_load %arg6[%get3A_217] {strides = array<i32>} : memref<2064xi32, #tpu.memory_space<vmem>>, vector<16xi32>,
        %eq3A_219 = vector.broadcast %while3A_179 : i32 to vector<16xi32>
        %eq3A_220 = arith.cmpi eq, %get3A_218, %eq3A_219 : vector<16xi32>
        %get3A_221 = arith.index_cast %mul3A_216 : i32 to index
        %get3A_222 = tpu.vector_load %arg5[%get3A_221] {strides = array<i32>} : memref<2048xf32, #tpu.memory_space<vmem>>, vector<16xf32>,
        %jit3A_223 = arith.constant 0xFF800000 : f32
        %broadcast_in_dim3A_224 = vector.broadcast %jit3A_223 : f32 to vector<16xf32>
        %select_n3A_225 = arith.select %eq3A_220, %get3A_222, %broadcast_in_dim3A_224 : vector<16xi1>, vector<16xf32>
        %max3A_226 = arith.maximumf %scan3A_207, %select_n3A_225 : vector<16xf32>
        %mul3A_227 = arith.constant 4 : i32
        %mul3A_228 = arith.muli %mul3A_227, %scan3A_206 : i32
        %add3A_229 = arith.constant 1 : i32
        %add3A_230 = arith.addi %mul3A_228, %add3A_229 : i32
        %mul3A_231 = arith.constant 16 : i32
        %mul3A_232 = arith.muli %add3A_230, %mul3A_231 : i32
        %get3A_233 = arith.index_cast %mul3A_232 : i32 to index
        %get3A_234 = tpu.vector_load %arg6[%get3A_233] {strides = array<i32>} : memref<2064xi32, #tpu.memory_space<vmem>>, vector<16xi32>,
        %eq3A_235 = vector.broadcast %while3A_179 : i32 to vector<16xi32>
        %eq3A_236 = arith.cmpi eq, %get3A_234, %eq3A_235 : vector<16xi32>
        %get3A_237 = arith.index_cast %mul3A_232 : i32 to index
        %get3A_238 = tpu.vector_load %arg5[%get3A_237] {strides = array<i32>} : memref<2048xf32, #tpu.memory_space<vmem>>, vector<16xf32>,
        %jit3A_239 = arith.constant 0xFF800000 : f32
        %broadcast_in_dim3A_240 = vector.broadcast %jit3A_239 : f32 to vector<16xf32>
        %select_n3A_241 = arith.select %eq3A_236, %get3A_238, %broadcast_in_dim3A_240 : vector<16xi1>, vector<16xf32>
        %max3A_242 = arith.maximumf %scan3A_208, %select_n3A_241 : vector<16xf32>
        %mul3A_243 = arith.constant 4 : i32
        %mul3A_244 = arith.muli %mul3A_243, %scan3A_206 : i32
        %add3A_245 = arith.constant 2 : i32
        %add3A_246 = arith.addi %mul3A_244, %add3A_245 : i32
        %mul3A_247 = arith.constant 16 : i32
        %mul3A_248 = arith.muli %add3A_246, %mul3A_247 : i32
        %get3A_249 = arith.index_cast %mul3A_248 : i32 to index
        %get3A_250 = tpu.vector_load %arg6[%get3A_249] {strides = array<i32>} : memref<2064xi32, #tpu.memory_space<vmem>>, vector<16xi32>,
        %eq3A_251 = vector.broadcast %while3A_179 : i32 to vector<16xi32>
        %eq3A_252 = arith.cmpi eq, %get3A_250, %eq3A_251 : vector<16xi32>
        %get3A_253 = arith.index_cast %mul3A_248 : i32 to index
        %get3A_254 = tpu.vector_load %arg5[%get3A_253] {strides = array<i32>} : memref<2048xf32, #tpu.memory_space<vmem>>, vector<16xf32>,
        %jit3A_255 = arith.constant 0xFF800000 : f32
        %broadcast_in_dim3A_256 = vector.broadcast %jit3A_255 : f32 to vector<16xf32>
        %select_n3A_257 = arith.select %eq3A_252, %get3A_254, %broadcast_in_dim3A_256 : vector<16xi1>, vector<16xf32>
        %max3A_258 = arith.maximumf %scan3A_209, %select_n3A_257 : vector<16xf32>
        %mul3A_259 = arith.constant 4 : i32
        %mul3A_260 = arith.muli %mul3A_259, %scan3A_206 : i32
        %add3A_261 = arith.constant 3 : i32
        %add3A_262 = arith.addi %mul3A_260, %add3A_261 : i32
        %mul3A_263 = arith.constant 16 : i32
        %mul3A_264 = arith.muli %add3A_262, %mul3A_263 : i32
        %get3A_265 = arith.index_cast %mul3A_264 : i32 to index
        %get3A_266 = tpu.vector_load %arg6[%get3A_265] {strides = array<i32>} : memref<2064xi32, #tpu.memory_space<vmem>>, vector<16xi32>,
        %eq3A_267 = vector.broadcast %while3A_179 : i32 to vector<16xi32>
        %eq3A_268 = arith.cmpi eq, %get3A_266, %eq3A_267 : vector<16xi32>
        %get3A_269 = arith.index_cast %mul3A_264 : i32 to index
        %get3A_270 = tpu.vector_load %arg5[%get3A_269] {strides = array<i32>} : memref<2048xf32, #tpu.memory_space<vmem>>, vector<16xf32>,
        %jit3A_271 = arith.constant 0xFF800000 : f32
        %broadcast_in_dim3A_272 = vector.broadcast %jit3A_271 : f32 to vector<16xf32>
        %select_n3A_273 = arith.select %eq3A_268, %get3A_270, %broadcast_in_dim3A_272 : vector<16xi1>, vector<16xf32>
        %max3A_274 = arith.maximumf %scan3A_210, %select_n3A_273 : vector<16xf32>
        scf.yield %max3A_226, %max3A_242, %max3A_258, %max3A_274 : vector<16xf32>, vector<16xf32>, vector<16xf32>, vector<16xf32>
      }
      %scan3A_193 = arith.constant 32 : i32
      %max3A_194 = arith.maximumf %scan3A_192#0, %scan3A_192#1 : vector<16xf32>
      %max3A_195 = arith.maximumf %scan3A_192#2, %scan3A_192#3 : vector<16xf32>
      %max3A_196 = arith.maximumf %max3A_194, %max3A_195 : vector<16xf32>
      %reduce_max3A_197 = arith.constant true
      %reduce_max3A_198 = vector.broadcast %reduce_max3A_197 : i1 to vector<16xi1>
      %reduce_max3A_199 = tpu.scan <max>, %max3A_196 masked %reduce_max3A_198 : vector<16xf32>, vector<16xi1> -> vector<16xf32>
      %reduce_max3A_200 = vector.extract %reduce_max3A_199[15] : f32 from vector<16xf32>
      %broadcast_in_dim3A_201 = vector.broadcast %while3A_179 : i32 to vector<16xi32>
      %broadcast_in_dim3A_202 = vector.broadcast %reduce_max3A_200 : f32 to vector<16xf32>
      %eq3A_203 = arith.constant 0 : i32
      %eq3A_204 = vector.broadcast %eq3A_203 : i32 to vector<16xi32>
      %eq3A_205 = arith.cmpi eq, %iota3A, %eq3A_204 : vector<16xi32>
      tpu.vector_store_idx %arg7[%broadcast_in_dim3A_201], %broadcast_in_dim3A_202 masked %eq3A_205 : memref<16xf32, #tpu.memory_space<vmem>>[vector<16xi32>], vector<16xf32>, vector<16xi1>
    }
    %while3A_32 = arith.constant 1 : i32
    scf.for %while3A_179 = %while3A_30 to %while3A_26 step %while3A_32  : i32 {
      %broadcast_in_dim3A_180 = arith.constant 0xFF800000 : f32
      %broadcast_in_dim3A_181 = vector.broadcast %broadcast_in_dim3A_180 : f32 to vector<16xf32>
      %broadcast_in_dim3A_182 = arith.constant 0xFF800000 : f32
      %broadcast_in_dim3A_183 = vector.broadcast %broadcast_in_dim3A_182 : f32 to vector<16xf32>
      %broadcast_in_dim3A_184 = arith.constant 0xFF800000 : f32
      %broadcast_in_dim3A_185 = vector.broadcast %broadcast_in_dim3A_184 : f32 to vector<16xf32>
      %broadcast_in_dim3A_186 = arith.constant 0xFF800000 : f32
      %broadcast_in_dim3A_187 = vector.broadcast %broadcast_in_dim3A_186 : f32 to vector<16xf32>
      %scan3A_188 = arith.constant 0 : i32
      %scan3A_189 = arith.constant 32 : i32
      %scan3A_190 = arith.addi %scan3A_188, %scan3A_189 : i32
      %scan3A_191 = arith.constant 1 : i32
      %scan3A_192:4 = scf.for %scan3A_206 = %scan3A_188 to %scan3A_190 step %scan3A_191 iter_args(%scan3A_207 = %broadcast_in_dim3A_181, %scan3A_208 = %broadcast_in_dim3A_183, %scan3A_209 = %broadcast_in_dim3A_185, %scan3A_210 = %broadcast_in_dim3A_187) -> (vector<16xf32>, vector<16xf32>, vector<16xf32>, vector<16xf32>)  : i32 {
        %mul3A_211 = arith.constant 4 : i32
        %mul3A_212 = arith.muli %mul3A_211, %scan3A_206 : i32
        %add3A_213 = arith.constant 0 : i32
        %add3A_214 = arith.addi %mul3A_212, %add3A_213 : i32
        %mul3A_215 = arith.constant 16 : i32
        %mul3A_216 = arith.muli %add3A_214, %mul3A_215 : i32
        %get3A_217 = arith.index_cast %mul3A_216 : i32 to index
        %get3A_218 = tpu.vector_load %arg6[%get3A_217] {strides = array<i32>} : memref<2064xi32, #tpu.memory_space<vmem>>, vector<16xi32>,
        %eq3A_219 = vector.broadcast %while3A_179 : i32 to vector<16xi32>
        %eq3A_220 = arith.cmpi eq, %get3A_218, %eq3A_219 : vector<16xi32>
        %get3A_221 = arith.index_cast %mul3A_216 : i32 to index
        %get3A_222 = tpu.vector_load %arg5[%get3A_221] {strides = array<i32>} : memref<2048xf32, #tpu.memory_space<vmem>>, vector<16xf32>,
        %jit3A_223 = arith.constant 0xFF800000 : f32
        %broadcast_in_dim3A_224 = vector.broadcast %jit3A_223 : f32 to vector<16xf32>
        %select_n3A_225 = arith.select %eq3A_220, %get3A_222, %broadcast_in_dim3A_224 : vector<16xi1>, vector<16xf32>
        %max3A_226 = arith.maximumf %scan3A_207, %select_n3A_225 : vector<16xf32>
        %mul3A_227 = arith.constant 4 : i32
        %mul3A_228 = arith.muli %mul3A_227, %scan3A_206 : i32
        %add3A_229 = arith.constant 1 : i32
        %add3A_230 = arith.addi %mul3A_228, %add3A_229 : i32
        %mul3A_231 = arith.constant 16 : i32
        %mul3A_232 = arith.muli %add3A_230, %mul3A_231 : i32
        %get3A_233 = arith.index_cast %mul3A_232 : i32 to index
        %get3A_234 = tpu.vector_load %arg6[%get3A_233] {strides = array<i32>} : memref<2064xi32, #tpu.memory_space<vmem>>, vector<16xi32>,
        %eq3A_235 = vector.broadcast %while3A_179 : i32 to vector<16xi32>
        %eq3A_236 = arith.cmpi eq, %get3A_234, %eq3A_235 : vector<16xi32>
        %get3A_237 = arith.index_cast %mul3A_232 : i32 to index
        %get3A_238 = tpu.vector_load %arg5[%get3A_237] {strides = array<i32>} : memref<2048xf32, #tpu.memory_space<vmem>>, vector<16xf32>,
        %jit3A_239 = arith.constant 0xFF800000 : f32
        %broadcast_in_dim3A_240 = vector.broadcast %jit3A_239 : f32 to vector<16xf32>
        %select_n3A_241 = arith.select %eq3A_236, %get3A_238, %broadcast_in_dim3A_240 : vector<16xi1>, vector<16xf32>
        %max3A_242 = arith.maximumf %scan3A_208, %select_n3A_241 : vector<16xf32>
        %mul3A_243 = arith.constant 4 : i32
        %mul3A_244 = arith.muli %mul3A_243, %scan3A_206 : i32
        %add3A_245 = arith.constant 2 : i32
        %add3A_246 = arith.addi %mul3A_244, %add3A_245 : i32
        %mul3A_247 = arith.constant 16 : i32
        %mul3A_248 = arith.muli %add3A_246, %mul3A_247 : i32
        %get3A_249 = arith.index_cast %mul3A_248 : i32 to index
        %get3A_250 = tpu.vector_load %arg6[%get3A_249] {strides = array<i32>} : memref<2064xi32, #tpu.memory_space<vmem>>, vector<16xi32>,
        %eq3A_251 = vector.broadcast %while3A_179 : i32 to vector<16xi32>
        %eq3A_252 = arith.cmpi eq, %get3A_250, %eq3A_251 : vector<16xi32>
        %get3A_253 = arith.index_cast %mul3A_248 : i32 to index
        %get3A_254 = tpu.vector_load %arg5[%get3A_253] {strides = array<i32>} : memref<2048xf32, #tpu.memory_space<vmem>>, vector<16xf32>,
        %jit3A_255 = arith.constant 0xFF800000 : f32
        %broadcast_in_dim3A_256 = vector.broadcast %jit3A_255 : f32 to vector<16xf32>
        %select_n3A_257 = arith.select %eq3A_252, %get3A_254, %broadcast_in_dim3A_256 : vector<16xi1>, vector<16xf32>
        %max3A_258 = arith.maximumf %scan3A_209, %select_n3A_257 : vector<16xf32>
        %mul3A_259 = arith.constant 4 : i32
        %mul3A_260 = arith.muli %mul3A_259, %scan3A_206 : i32
        %add3A_261 = arith.constant 3 : i32
        %add3A_262 = arith.addi %mul3A_260, %add3A_261 : i32
        %mul3A_263 = arith.constant 16 : i32
        %mul3A_264 = arith.muli %add3A_262, %mul3A_263 : i32
        %get3A_265 = arith.index_cast %mul3A_264 : i32 to index
        %get3A_266 = tpu.vector_load %arg6[%get3A_265] {strides = array<i32>} : memref<2064xi32, #tpu.memory_space<vmem>>, vector<16xi32>,
        %eq3A_267 = vector.broadcast %while3A_179 : i32 to vector<16xi32>
        %eq3A_268 = arith.cmpi eq, %get3A_266, %eq3A_267 : vector<16xi32>
        %get3A_269 = arith.index_cast %mul3A_264 : i32 to index
        %get3A_270 = tpu.vector_load %arg5[%get3A_269] {strides = array<i32>} : memref<2048xf32, #tpu.memory_space<vmem>>, vector<16xf32>,
        %jit3A_271 = arith.constant 0xFF800000 : f32
        %broadcast_in_dim3A_272 = vector.broadcast %jit3A_271 : f32 to vector<16xf32>
        %select_n3A_273 = arith.select %eq3A_268, %get3A_270, %broadcast_in_dim3A_272 : vector<16xi1>, vector<16xf32>
        %max3A_274 = arith.maximumf %scan3A_210, %select_n3A_273 : vector<16xf32>
        scf.yield %max3A_226, %max3A_242, %max3A_258, %max3A_274 : vector<16xf32>, vector<16xf32>, vector<16xf32>, vector<16xf32>
      }
      %scan3A_193 = arith.constant 32 : i32
      %max3A_194 = arith.maximumf %scan3A_192#0, %scan3A_192#1 : vector<16xf32>
      %max3A_195 = arith.maximumf %scan3A_192#2, %scan3A_192#3 : vector<16xf32>
      %max3A_196 = arith.maximumf %max3A_194, %max3A_195 : vector<16xf32>
      %reduce_max3A_197 = arith.constant true
      %reduce_max3A_198 = vector.broadcast %reduce_max3A_197 : i1 to vector<16xi1>
      %reduce_max3A_199 = tpu.scan <max>, %max3A_196 masked %reduce_max3A_198 : vector<16xf32>, vector<16xi1> -> vector<16xf32>
      %reduce_max3A_200 = vector.extract %reduce_max3A_199[15] : f32 from vector<16xf32>
      %broadcast_in_dim3A_201 = vector.broadcast %while3A_179 : i32 to vector<16xi32>
      %broadcast_in_dim3A_202 = vector.broadcast %reduce_max3A_200 : f32 to vector<16xf32>
      %eq3A_203 = arith.constant 0 : i32
      %eq3A_204 = vector.broadcast %eq3A_203 : i32 to vector<16xi32>
      %eq3A_205 = arith.cmpi eq, %iota3A, %eq3A_204 : vector<16xi32>
      tpu.vector_store_idx %arg7[%broadcast_in_dim3A_201], %broadcast_in_dim3A_202 masked %eq3A_205 : memref<16xf32, #tpu.memory_space<vmem>>[vector<16xi32>], vector<16xf32>, vector<16xi1>
    }
    %mul3A_33 = arith.constant 16 : i32
    %mul3A_34 = arith.muli %arg1, %mul3A_33 : i32
    "tpu.region"() ({
      %run_scoped3A = tpu.sem_alloc : memref<!tpu.dma_semaphore, #tpu.memory_space<semaphore_mem>>
      %dma_start3A = tpu.memref_slice %arg14[%mul3A_34] : memref<256xf32, #tpu.memory_space<vmem_shared>> -> memref<16xf32, #tpu.memory_space<vmem_shared>>
      %dma_start3A_179 = tpu.memref_slice %arg14[%mul3A_34] : memref<256xf32, #tpu.memory_space<vmem_shared>> -> memref<16xf32, #tpu.memory_space<vmem_shared>>
      tpu.enqueue_dma source(%arg7 : memref<16xf32, #tpu.memory_space<vmem>>) target(%dma_start3A_179 : memref<16xf32, #tpu.memory_space<vmem_shared>>) target_semaphore(%run_scoped3A : memref<!tpu.dma_semaphore, #tpu.memory_space<semaphore_mem>>)
      %dma_wait3A = tpu.memref_slice %arg14[%mul3A_34] : memref<256xf32, #tpu.memory_space<vmem_shared>> -> memref<16xf32, #tpu.memory_space<vmem_shared>>
      %dma_wait3A_180 = tpu.memref_slice %arg14[%mul3A_34] : memref<256xf32, #tpu.memory_space<vmem_shared>> -> memref<16xf32, #tpu.memory_space<vmem_shared>>
      tpu.wait_dma2 semaphore(%run_scoped3A : memref<!tpu.dma_semaphore, #tpu.memory_space<semaphore_mem>>) src(%arg7 : memref<16xf32, #tpu.memory_space<vmem>>) dst(%dma_wait3A_180 : memref<16xf32, #tpu.memory_space<vmem_shared>>)
      tpu.yield
    }) : () -> ()
    %barrier3A = arith.constant 0 : index
    tpu.barrier barrier_id(%barrier3A)
    "tpu.region"() ({
      %run_scoped3A = tpu.sem_alloc : memref<!tpu.dma_semaphore, #tpu.memory_space<semaphore_mem>>
      tpu.enqueue_dma source(%arg14 : memref<256xf32, #tpu.memory_space<vmem_shared>>) target(%arg8 : memref<256xf32, #tpu.memory_space<vmem>>) target_semaphore(%run_scoped3A : memref<!tpu.dma_semaphore, #tpu.memory_space<semaphore_mem>>)
      tpu.wait_dma2 semaphore(%run_scoped3A : memref<!tpu.dma_semaphore, #tpu.memory_space<semaphore_mem>>) src(%arg14 : memref<256xf32, #tpu.memory_space<vmem_shared>>) dst(%arg8 : memref<256xf32, #tpu.memory_space<vmem>>)
      tpu.yield
    }) : () -> ()
    %get3A_35 = arith.constant 0 : index
    %get3A_36 = tpu.vector_load %arg8[%get3A_35] {strides = array<i32>} : memref<256xf32, #tpu.memory_space<vmem>>, vector<16xf32>,
    %get3A_37 = arith.constant 16 : index
    %get3A_38 = tpu.vector_load %arg8[%get3A_37] {strides = array<i32>} : memref<256xf32, #tpu.memory_space<vmem>>, vector<16xf32>,
    %max3A = arith.maximumf %get3A_36, %get3A_38 : vector<16xf32>
    %get3A_39 = arith.constant 32 : index
    %get3A_40 = tpu.vector_load %arg8[%get3A_39] {strides = array<i32>} : memref<256xf32, #tpu.memory_space<vmem>>, vector<16xf32>,
    %max3A_41 = arith.maximumf %max3A, %get3A_40 : vector<16xf32>
    %get3A_42 = arith.constant 48 : index
    %get3A_43 = tpu.vector_load %arg8[%get3A_42] {strides = array<i32>} : memref<256xf32, #tpu.memory_space<vmem>>, vector<16xf32>,
    %max3A_44 = arith.maximumf %max3A_41, %get3A_43 : vector<16xf32>
    %get3A_45 = arith.constant 64 : index
    %get3A_46 = tpu.vector_load %arg8[%get3A_45] {strides = array<i32>} : memref<256xf32, #tpu.memory_space<vmem>>, vector<16xf32>,
    %max3A_47 = arith.maximumf %max3A_44, %get3A_46 : vector<16xf32>
    %get3A_48 = arith.constant 80 : index
    %get3A_49 = tpu.vector_load %arg8[%get3A_48] {strides = array<i32>} : memref<256xf32, #tpu.memory_space<vmem>>, vector<16xf32>,
    %max3A_50 = arith.maximumf %max3A_47, %get3A_49 : vector<16xf32>
    %get3A_51 = arith.constant 96 : index
    %get3A_52 = tpu.vector_load %arg8[%get3A_51] {strides = array<i32>} : memref<256xf32, #tpu.memory_space<vmem>>, vector<16xf32>,
    %max3A_53 = arith.maximumf %max3A_50, %get3A_52 : vector<16xf32>
    %get3A_54 = arith.constant 112 : index
    %get3A_55 = tpu.vector_load %arg8[%get3A_54] {strides = array<i32>} : memref<256xf32, #tpu.memory_space<vmem>>, vector<16xf32>,
    %max3A_56 = arith.maximumf %max3A_53, %get3A_55 : vector<16xf32>
    %get3A_57 = arith.constant 128 : index
    %get3A_58 = tpu.vector_load %arg8[%get3A_57] {strides = array<i32>} : memref<256xf32, #tpu.memory_space<vmem>>, vector<16xf32>,
    %max3A_59 = arith.maximumf %max3A_56, %get3A_58 : vector<16xf32>
    %get3A_60 = arith.constant 144 : index
    %get3A_61 = tpu.vector_load %arg8[%get3A_60] {strides = array<i32>} : memref<256xf32, #tpu.memory_space<vmem>>, vector<16xf32>,
    %max3A_62 = arith.maximumf %max3A_59, %get3A_61 : vector<16xf32>
    %get3A_63 = arith.constant 160 : index
    %get3A_64 = tpu.vector_load %arg8[%get3A_63] {strides = array<i32>} : memref<256xf32, #tpu.memory_space<vmem>>, vector<16xf32>,
    %max3A_65 = arith.maximumf %max3A_62, %get3A_64 : vector<16xf32>
    %get3A_66 = arith.constant 176 : index
    %get3A_67 = tpu.vector_load %arg8[%get3A_66] {strides = array<i32>} : memref<256xf32, #tpu.memory_space<vmem>>, vector<16xf32>,
    %max3A_68 = arith.maximumf %max3A_65, %get3A_67 : vector<16xf32>
    %get3A_69 = arith.constant 192 : index
    %get3A_70 = tpu.vector_load %arg8[%get3A_69] {strides = array<i32>} : memref<256xf32, #tpu.memory_space<vmem>>, vector<16xf32>,
    %max3A_71 = arith.maximumf %max3A_68, %get3A_70 : vector<16xf32>
    %get3A_72 = arith.constant 208 : index
    %get3A_73 = tpu.vector_load %arg8[%get3A_72] {strides = array<i32>} : memref<256xf32, #tpu.memory_space<vmem>>, vector<16xf32>,
    %max3A_74 = arith.maximumf %max3A_71, %get3A_73 : vector<16xf32>
    %get3A_75 = arith.constant 224 : index
    %get3A_76 = tpu.vector_load %arg8[%get3A_75] {strides = array<i32>} : memref<256xf32, #tpu.memory_space<vmem>>, vector<16xf32>,
    %max3A_77 = arith.maximumf %max3A_74, %get3A_76 : vector<16xf32>
    %get3A_78 = arith.constant 240 : index
    %get3A_79 = tpu.vector_load %arg8[%get3A_78] {strides = array<i32>} : memref<256xf32, #tpu.memory_space<vmem>>, vector<16xf32>,
    %max3A_80 = arith.maximumf %max3A_77, %get3A_79 : vector<16xf32>
    %swap3A_81 = arith.constant 0 : index
    %swap3A_82 = tpu.vector_load %arg9[%swap3A_81] {strides = array<i32>} : memref<16xf32, #tpu.memory_space<vmem>>, vector<16xf32>,
    tpu.vector_store %arg9[%swap3A_81], %max3A_80 {strides = array<i32>} : memref<16xf32, #tpu.memory_space<vmem>>, vector<16xf32>,
    %broadcast_in_dim3A_83 = arith.constant 0.000000e+00 : f32
    %broadcast_in_dim3A_84 = vector.broadcast %broadcast_in_dim3A_83 : f32 to vector<16xf32>
    %swap3A_85 = arith.constant 0 : index
    %swap3A_86 = tpu.vector_load %arg7[%swap3A_85] {strides = array<i32>} : memref<16xf32, #tpu.memory_space<vmem>>, vector<16xf32>,
    tpu.vector_store %arg7[%swap3A_85], %broadcast_in_dim3A_84 {strides = array<i32>} : memref<16xf32, #tpu.memory_space<vmem>>, vector<16xf32>,
    %parallel_loop3A = arith.constant 0 : i32
    %parallel_loop3A_87 = arith.constant 128 : i32
    %parallel_loop3A_88 = arith.constant 1 : i32
    scf.for %parallel_loop3A_179 = %parallel_loop3A to %parallel_loop3A_87 step %parallel_loop3A_88  : i32 {
      %parallel_loop3A_180 = arith.constant 16 : i32
      %parallel_loop3A_181 = arith.muli %parallel_loop3A_179, %parallel_loop3A_180 : i32
      %parallel_loop3A_182 = arith.index_cast %parallel_loop3A_181 : i32 to index
      %parallel_loop3A_183 = tpu.vector_load %arg6[%parallel_loop3A_182] {strides = array<i32>} : memref<2064xi32, #tpu.memory_space<vmem>>, vector<16xi32>,
      %parallel_loop3A_184 = tpu.vector_load_idx %arg9[%parallel_loop3A_183] : memref<16xf32, #tpu.memory_space<vmem>>[vector<16xi32>], vector<16xf32>,
      %parallel_loop3A_185 = arith.index_cast %parallel_loop3A_181 : i32 to index
      %parallel_loop3A_186 = tpu.vector_load %arg5[%parallel_loop3A_185] {strides = array<i32>} : memref<2048xf32, #tpu.memory_space<vmem>>, vector<16xf32>,
      %parallel_loop3A_187 = arith.subf %parallel_loop3A_186, %parallel_loop3A_184 : vector<16xf32>
      %parallel_loop3A_188 = math.exp %parallel_loop3A_187 : vector<16xf32>
      %parallel_loop3A_189 = arith.index_cast %parallel_loop3A_181 : i32 to index
      %parallel_loop3A_190 = tpu.vector_load %arg5[%parallel_loop3A_189] {strides = array<i32>} : memref<2048xf32, #tpu.memory_space<vmem>>, vector<16xf32>,
      tpu.vector_store %arg5[%parallel_loop3A_189], %parallel_loop3A_188 {strides = array<i32>} : memref<2048xf32, #tpu.memory_space<vmem>>, vector<16xf32>,
      %parallel_loop3A_191 = vector.broadcast %parallel_loop3A_179 : i32 to vector<16xi32>
      %parallel_loop3A_192 = arith.constant true
      %parallel_loop3A_193 = vector.broadcast %parallel_loop3A_192 : i1 to vector<16xi1>
      %parallel_loop3A_194 = tpu.scan <sum>, %parallel_loop3A_188 masked %parallel_loop3A_193 : vector<16xf32>, vector<16xi1> -> vector<16xf32>
      %parallel_loop3A_195 = vector.extract %parallel_loop3A_194[15] : f32 from vector<16xf32>
      %parallel_loop3A_196 = vector.broadcast %parallel_loop3A_195 : f32 to vector<16xf32>
      %parallel_loop3A_197 = arith.constant 0 : i32
      %parallel_loop3A_198 = vector.broadcast %parallel_loop3A_197 : i32 to vector<16xi32>
      %parallel_loop3A_199 = arith.cmpi eq, %iota3A, %parallel_loop3A_198 : vector<16xi32>
      tpu.vector_store_idx %arg12[%parallel_loop3A_191], %parallel_loop3A_196 masked %parallel_loop3A_199 : memref<128xf32, #tpu.memory_space<vmem>>[vector<16xi32>], vector<16xf32>, vector<16xi1>
    } {sc.loop_unroll_factor = 4 : i64, sc.parallel_access}
    %broadcast_in_dim3A_89 = arith.constant 0.000000e+00 : f32
    %broadcast_in_dim3A_90 = vector.broadcast %broadcast_in_dim3A_89 : f32 to vector<16xf32>
    %scan3A = arith.constant 0 : i32
    %scan3A_91 = arith.constant 8 : i32
    %scan3A_92 = arith.addi %scan3A, %scan3A_91 : i32
    %scan3A_93 = arith.constant 1 : i32
    %scan3A_94 = scf.for %scan3A_179 = %scan3A to %scan3A_92 step %scan3A_93 iter_args(%scan3A_180 = %broadcast_in_dim3A_90) -> (vector<16xf32>)  : i32 {
      %mul3A_181 = arith.constant 16 : i32
      %mul3A_182 = arith.muli %scan3A_179, %mul3A_181 : i32
      %get3A_183 = arith.index_cast %mul3A_182 : i32 to index
      %get3A_184 = tpu.vector_load %arg12[%get3A_183] {strides = array<i32>} : memref<128xf32, #tpu.memory_space<vmem>>, vector<16xf32>,
      %broadcast_in_dim3A_185 = arith.constant true
      %broadcast_in_dim3A_186 = vector.broadcast %broadcast_in_dim3A_185 : i1 to vector<16xi1>
      %masked_cumsum3A = tpu.scan <sum>, %get3A_184 masked %broadcast_in_dim3A_186 : vector<16xf32>, vector<16xi1> -> vector<16xf32>
      %swap3A_187 = arith.constant 0 : index
      %swap3A_188 = tpu.vector_load %arg11[%swap3A_187] {strides = array<i32>} : memref<16xf32, #tpu.memory_space<vmem>>, vector<16xf32>,
      tpu.vector_store %arg11[%swap3A_187], %masked_cumsum3A {strides = array<i32>} : memref<16xf32, #tpu.memory_space<vmem>>, vector<16xf32>,
      %sub3A_189 = arith.constant 1 : i32
      %sub3A_190 = vector.broadcast %sub3A_189 : i32 to vector<16xi32>
      %sub3A_191 = arith.subi %iota3A, %sub3A_190 : vector<16xi32>
      %max3A_192 = arith.constant 0 : i32
      %max3A_193 = vector.broadcast %max3A_192 : i32 to vector<16xi32>
      %max3A_194 = arith.maxsi %sub3A_191, %max3A_193 : vector<16xi32>
      %gather3A_195 = tpu.vector_load_idx %arg11[%max3A_194] : memref<16xf32, #tpu.memory_space<vmem>>[vector<16xi32>], vector<16xf32>,
      %eq3A_196 = arith.constant 0 : i32
      %eq3A_197 = vector.broadcast %eq3A_196 : i32 to vector<16xi32>
      %eq3A_198 = arith.cmpi eq, %iota3A, %eq3A_197 : vector<16xi32>
      %jit3A_199 = arith.constant 0.000000e+00 : f32
      %broadcast_in_dim3A_200 = vector.broadcast %jit3A_199 : f32 to vector<16xf32>
      %select_n3A_201 = arith.select %eq3A_198, %broadcast_in_dim3A_200, %gather3A_195 : vector<16xi1>, vector<16xf32>
      %add3A_202 = arith.addf %scan3A_180, %select_n3A_201 : vector<16xf32>
      %swap3A_203 = arith.index_cast %mul3A_182 : i32 to index
      %swap3A_204 = tpu.vector_load %arg13[%swap3A_203] {strides = array<i32>} : memref<128xf32, #tpu.memory_space<vmem>>, vector<16xf32>,
      tpu.vector_store %arg13[%swap3A_203], %add3A_202 {strides = array<i32>} : memref<128xf32, #tpu.memory_space<vmem>>, vector<16xf32>,
      %reduce_sum3A = arith.constant true
      %reduce_sum3A_205 = vector.broadcast %reduce_sum3A : i1 to vector<16xi1>
      %reduce_sum3A_206 = tpu.scan <sum>, %get3A_184 masked %reduce_sum3A_205 : vector<16xf32>, vector<16xi1> -> vector<16xf32>
      %reduce_sum3A_207 = vector.extract %reduce_sum3A_206[15] : f32 from vector<16xf32>
      %add3A_208 = vector.broadcast %reduce_sum3A_207 : f32 to vector<16xf32>
      %add3A_209 = arith.addf %scan3A_180, %add3A_208 : vector<16xf32>
      scf.yield %add3A_209 : vector<16xf32>
    }
    %scan3A_95 = arith.constant 8 : i32
    %parallel_loop3A_96 = arith.constant 0 : i32
    %parallel_loop3A_97 = arith.constant 128 : i32
    %parallel_loop3A_98 = arith.constant 1 : i32
    scf.for %parallel_loop3A_179 = %parallel_loop3A_96 to %parallel_loop3A_97 step %parallel_loop3A_98  : i32 {
      %parallel_loop3A_180 = arith.constant 16 : i32
      %parallel_loop3A_181 = arith.muli %parallel_loop3A_179, %parallel_loop3A_180 : i32
      %parallel_loop3A_182 = arith.index_cast %parallel_loop3A_181 : i32 to index
      %parallel_loop3A_183 = tpu.vector_load %arg6[%parallel_loop3A_182] {strides = array<i32>} : memref<2064xi32, #tpu.memory_space<vmem>>, vector<16xi32>,
      %parallel_loop3A_184 = arith.index_cast %parallel_loop3A_181 : i32 to index
      %parallel_loop3A_185 = tpu.vector_load %arg5[%parallel_loop3A_184] {strides = array<i32>} : memref<2048xf32, #tpu.memory_space<vmem>>, vector<16xf32>,
      %parallel_loop3A_186 = arith.constant true
      %parallel_loop3A_187 = vector.broadcast %parallel_loop3A_186 : i1 to vector<16xi1>
      %parallel_loop3A_188 = tpu.scan <sum>, %parallel_loop3A_185 masked %parallel_loop3A_187 : vector<16xf32>, vector<16xi1> -> vector<16xf32>
      %parallel_loop3A_189 = vector.broadcast %parallel_loop3A_179 : i32 to vector<16xi32>
      %parallel_loop3A_190 = tpu.vector_load_idx %arg13[%parallel_loop3A_189] : memref<128xf32, #tpu.memory_space<vmem>>[vector<16xi32>], vector<16xf32>,
      %parallel_loop3A_191 = arith.addf %parallel_loop3A_188, %parallel_loop3A_190 : vector<16xf32>
      %parallel_loop3A_192 = arith.constant 16 : i32
      %parallel_loop3A_193 = arith.muli %parallel_loop3A_179, %parallel_loop3A_192 : i32
      %parallel_loop3A_194 = arith.constant 1 : i32
      %parallel_loop3A_195 = arith.addi %parallel_loop3A_193, %parallel_loop3A_194 : i32
      %parallel_loop3A_196 = arith.index_cast %parallel_loop3A_195 : i32 to index
      %parallel_loop3A_197 = tpu.vector_load %arg6[%parallel_loop3A_196] {strides = array<i32>} : memref<2064xi32, #tpu.memory_space<vmem>>, vector<16xi32>,
      %parallel_loop3A_198 = arith.cmpi ne, %parallel_loop3A_183, %parallel_loop3A_197 : vector<16xi32>
      tpu.vector_store_idx %arg7[%parallel_loop3A_183], %parallel_loop3A_191 masked %parallel_loop3A_198 : memref<16xf32, #tpu.memory_space<vmem>>[vector<16xi32>], vector<16xf32>, vector<16xi1>
    } {sc.loop_unroll_factor = 4 : i64, sc.parallel_access}
    %get3A_99 = arith.constant 0 : index
    %get3A_100 = tpu.vector_load %arg7[%get3A_99] {strides = array<i32>} : memref<16xf32, #tpu.memory_space<vmem>>, vector<16xf32>,
    %broadcast_in_dim3A_101 = arith.constant true
    %broadcast_in_dim3A_102 = vector.broadcast %broadcast_in_dim3A_101 : i1 to vector<16xi1>
    %masked_cummax3A = tpu.scan <max>, %get3A_100 masked %broadcast_in_dim3A_102 : vector<16xf32>, vector<16xi1> -> vector<16xf32>
    %swap3A_103 = arith.constant 0 : index
    %swap3A_104 = tpu.vector_load %arg11[%swap3A_103] {strides = array<i32>} : memref<16xf32, #tpu.memory_space<vmem>>, vector<16xf32>,
    tpu.vector_store %arg11[%swap3A_103], %masked_cummax3A {strides = array<i32>} : memref<16xf32, #tpu.memory_space<vmem>>, vector<16xf32>,
    %sub3A = arith.constant 1 : i32
    %sub3A_105 = vector.broadcast %sub3A : i32 to vector<16xi32>
    %sub3A_106 = arith.subi %iota3A, %sub3A_105 : vector<16xi32>
    %max3A_107 = arith.constant 0 : i32
    %max3A_108 = vector.broadcast %max3A_107 : i32 to vector<16xi32>
    %max3A_109 = arith.maxsi %sub3A_106, %max3A_108 : vector<16xi32>
    %gather3A = tpu.vector_load_idx %arg11[%max3A_109] : memref<16xf32, #tpu.memory_space<vmem>>[vector<16xi32>], vector<16xf32>,
    %eq3A = arith.constant 0 : i32
    %eq3A_110 = vector.broadcast %eq3A : i32 to vector<16xi32>
    %eq3A_111 = arith.cmpi eq, %iota3A, %eq3A_110 : vector<16xi32>
    %jit3A = arith.constant 0.000000e+00 : f32
    %broadcast_in_dim3A_112 = vector.broadcast %jit3A : f32 to vector<16xf32>
    %select_n3A = arith.select %eq3A_111, %broadcast_in_dim3A_112, %gather3A : vector<16xi1>, vector<16xf32>
    %eq3A_113 = arith.constant 0.000000e+00 : f32
    %eq3A_114 = vector.broadcast %eq3A_113 : f32 to vector<16xf32>
    %eq3A_115 = arith.cmpf oeq, %get3A_100, %eq3A_114 : vector<16xf32>
    %sub3A_116 = arith.subf %get3A_100, %select_n3A : vector<16xf32>
    %jit3A_117 = arith.constant 0.000000e+00 : f32
    %broadcast_in_dim3A_118 = vector.broadcast %jit3A_117 : f32 to vector<16xf32>
    %select_n3A_119 = arith.select %eq3A_115, %broadcast_in_dim3A_118, %sub3A_116 : vector<16xi1>, vector<16xf32>
    %swap3A_120 = arith.constant 0 : index
    %swap3A_121 = tpu.vector_load %arg7[%swap3A_120] {strides = array<i32>} : memref<16xf32, #tpu.memory_space<vmem>>, vector<16xf32>,
    tpu.vector_store %arg7[%swap3A_120], %select_n3A_119 {strides = array<i32>} : memref<16xf32, #tpu.memory_space<vmem>>, vector<16xf32>,
    %mul3A_122 = arith.constant 16 : i32
    %mul3A_123 = arith.muli %arg1, %mul3A_122 : i32
    "tpu.region"() ({
      %run_scoped3A = tpu.sem_alloc : memref<!tpu.dma_semaphore, #tpu.memory_space<semaphore_mem>>
      %dma_start3A = tpu.memref_slice %arg15[%mul3A_123] : memref<256xf32, #tpu.memory_space<vmem_shared>> -> memref<16xf32, #tpu.memory_space<vmem_shared>>
      %dma_start3A_179 = tpu.memref_slice %arg15[%mul3A_123] : memref<256xf32, #tpu.memory_space<vmem_shared>> -> memref<16xf32, #tpu.memory_space<vmem_shared>>
      tpu.enqueue_dma source(%arg7 : memref<16xf32, #tpu.memory_space<vmem>>) target(%dma_start3A_179 : memref<16xf32, #tpu.memory_space<vmem_shared>>) target_semaphore(%run_scoped3A : memref<!tpu.dma_semaphore, #tpu.memory_space<semaphore_mem>>)
      %dma_wait3A = tpu.memref_slice %arg15[%mul3A_123] : memref<256xf32, #tpu.memory_space<vmem_shared>> -> memref<16xf32, #tpu.memory_space<vmem_shared>>
      %dma_wait3A_180 = tpu.memref_slice %arg15[%mul3A_123] : memref<256xf32, #tpu.memory_space<vmem_shared>> -> memref<16xf32, #tpu.memory_space<vmem_shared>>
      tpu.wait_dma2 semaphore(%run_scoped3A : memref<!tpu.dma_semaphore, #tpu.memory_space<semaphore_mem>>) src(%arg7 : memref<16xf32, #tpu.memory_space<vmem>>) dst(%dma_wait3A_180 : memref<16xf32, #tpu.memory_space<vmem_shared>>)
      tpu.yield
    }) : () -> ()
    %barrier3A_124 = arith.constant 0 : index
    tpu.barrier barrier_id(%barrier3A_124)
    "tpu.region"() ({
      %run_scoped3A = tpu.sem_alloc : memref<!tpu.dma_semaphore, #tpu.memory_space<semaphore_mem>>
      tpu.enqueue_dma source(%arg15 : memref<256xf32, #tpu.memory_space<vmem_shared>>) target(%arg8 : memref<256xf32, #tpu.memory_space<vmem>>) target_semaphore(%run_scoped3A : memref<!tpu.dma_semaphore, #tpu.memory_space<semaphore_mem>>)
      tpu.wait_dma2 semaphore(%run_scoped3A : memref<!tpu.dma_semaphore, #tpu.memory_space<semaphore_mem>>) src(%arg15 : memref<256xf32, #tpu.memory_space<vmem_shared>>) dst(%arg8 : memref<256xf32, #tpu.memory_space<vmem>>)
      tpu.yield
    }) : () -> ()
    %get3A_125 = arith.constant 0 : index
    %get3A_126 = tpu.vector_load %arg8[%get3A_125] {strides = array<i32>} : memref<256xf32, #tpu.memory_space<vmem>>, vector<16xf32>,
    %get3A_127 = arith.constant 16 : index
    %get3A_128 = tpu.vector_load %arg8[%get3A_127] {strides = array<i32>} : memref<256xf32, #tpu.memory_space<vmem>>, vector<16xf32>,
    %add3A_129 = arith.addf %get3A_126, %get3A_128 : vector<16xf32>
    %get3A_130 = arith.constant 32 : index
    %get3A_131 = tpu.vector_load %arg8[%get3A_130] {strides = array<i32>} : memref<256xf32, #tpu.memory_space<vmem>>, vector<16xf32>,
    %add3A_132 = arith.addf %add3A_129, %get3A_131 : vector<16xf32>
    %get3A_133 = arith.constant 48 : index
    %get3A_134 = tpu.vector_load %arg8[%get3A_133] {strides = array<i32>} : memref<256xf32, #tpu.memory_space<vmem>>, vector<16xf32>,
    %add3A_135 = arith.addf %add3A_132, %get3A_134 : vector<16xf32>
    %get3A_136 = arith.constant 64 : index
    %get3A_137 = tpu.vector_load %arg8[%get3A_136] {strides = array<i32>} : memref<256xf32, #tpu.memory_space<vmem>>, vector<16xf32>,
    %add3A_138 = arith.addf %add3A_135, %get3A_137 : vector<16xf32>
    %get3A_139 = arith.constant 80 : index
    %get3A_140 = tpu.vector_load %arg8[%get3A_139] {strides = array<i32>} : memref<256xf32, #tpu.memory_space<vmem>>, vector<16xf32>,
    %add3A_141 = arith.addf %add3A_138, %get3A_140 : vector<16xf32>
    %get3A_142 = arith.constant 96 : index
    %get3A_143 = tpu.vector_load %arg8[%get3A_142] {strides = array<i32>} : memref<256xf32, #tpu.memory_space<vmem>>, vector<16xf32>,
    %add3A_144 = arith.addf %add3A_141, %get3A_143 : vector<16xf32>
    %get3A_145 = arith.constant 112 : index
    %get3A_146 = tpu.vector_load %arg8[%get3A_145] {strides = array<i32>} : memref<256xf32, #tpu.memory_space<vmem>>, vector<16xf32>,
    %add3A_147 = arith.addf %add3A_144, %get3A_146 : vector<16xf32>
    %get3A_148 = arith.constant 128 : index
    %get3A_149 = tpu.vector_load %arg8[%get3A_148] {strides = array<i32>} : memref<256xf32, #tpu.memory_space<vmem>>, vector<16xf32>,
    %add3A_150 = arith.addf %add3A_147, %get3A_149 : vector<16xf32>
    %get3A_151 = arith.constant 144 : index
    %get3A_152 = tpu.vector_load %arg8[%get3A_151] {strides = array<i32>} : memref<256xf32, #tpu.memory_space<vmem>>, vector<16xf32>,
    %add3A_153 = arith.addf %add3A_150, %get3A_152 : vector<16xf32>
    %get3A_154 = arith.constant 160 : index
    %get3A_155 = tpu.vector_load %arg8[%get3A_154] {strides = array<i32>} : memref<256xf32, #tpu.memory_space<vmem>>, vector<16xf32>,
    %add3A_156 = arith.addf %add3A_153, %get3A_155 : vector<16xf32>
    %get3A_157 = arith.constant 176 : index
    %get3A_158 = tpu.vector_load %arg8[%get3A_157] {strides = array<i32>} : memref<256xf32, #tpu.memory_space<vmem>>, vector<16xf32>,
    %add3A_159 = arith.addf %add3A_156, %get3A_158 : vector<16xf32>
    %get3A_160 = arith.constant 192 : index
    %get3A_161 = tpu.vector_load %arg8[%get3A_160] {strides = array<i32>} : memref<256xf32, #tpu.memory_space<vmem>>, vector<16xf32>,
    %add3A_162 = arith.addf %add3A_159, %get3A_161 : vector<16xf32>
    %get3A_163 = arith.constant 208 : index
    %get3A_164 = tpu.vector_load %arg8[%get3A_163] {strides = array<i32>} : memref<256xf32, #tpu.memory_space<vmem>>, vector<16xf32>,
    %add3A_165 = arith.addf %add3A_162, %get3A_164 : vector<16xf32>
    %get3A_166 = arith.constant 224 : index
    %get3A_167 = tpu.vector_load %arg8[%get3A_166] {strides = array<i32>} : memref<256xf32, #tpu.memory_space<vmem>>, vector<16xf32>,
    %add3A_168 = arith.addf %add3A_165, %get3A_167 : vector<16xf32>
    %get3A_169 = arith.constant 240 : index
    %get3A_170 = tpu.vector_load %arg8[%get3A_169] {strides = array<i32>} : memref<256xf32, #tpu.memory_space<vmem>>, vector<16xf32>,
    %add3A_171 = arith.addf %add3A_168, %get3A_170 : vector<16xf32>
    %div3A = arith.constant 1.000000e+00 : f32
    %div3A_172 = vector.broadcast %div3A : f32 to vector<16xf32>
    %div3A_173 = arith.divf %div3A_172, %add3A_171 : vector<16xf32>
    %swap3A_174 = arith.constant 0 : index
    %swap3A_175 = tpu.vector_load %arg9[%swap3A_174] {strides = array<i32>} : memref<16xf32, #tpu.memory_space<vmem>>, vector<16xf32>,
    tpu.vector_store %arg9[%swap3A_174], %div3A_173 {strides = array<i32>} : memref<16xf32, #tpu.memory_space<vmem>>, vector<16xf32>,
    %parallel_loop3A_176 = arith.constant 0 : i32
    %parallel_loop3A_177 = arith.constant 128 : i32
    %parallel_loop3A_178 = arith.constant 1 : i32
    scf.for %parallel_loop3A_179 = %parallel_loop3A_176 to %parallel_loop3A_177 step %parallel_loop3A_178  : i32 {
      %parallel_loop3A_180 = arith.constant 16 : i32
      %parallel_loop3A_181 = arith.muli %parallel_loop3A_179, %parallel_loop3A_180 : i32
      %parallel_loop3A_182 = arith.index_cast %parallel_loop3A_181 : i32 to index
      %parallel_loop3A_183 = tpu.vector_load %arg6[%parallel_loop3A_182] {strides = array<i32>} : memref<2064xi32, #tpu.memory_space<vmem>>, vector<16xi32>,
      %parallel_loop3A_184 = tpu.vector_load_idx %arg9[%parallel_loop3A_183] : memref<16xf32, #tpu.memory_space<vmem>>[vector<16xi32>], vector<16xf32>,
      %parallel_loop3A_185 = arith.index_cast %parallel_loop3A_181 : i32 to index
      %parallel_loop3A_186 = tpu.vector_load %arg5[%parallel_loop3A_185] {strides = array<i32>} : memref<2048xf32, #tpu.memory_space<vmem>>, vector<16xf32>,
      %parallel_loop3A_187 = arith.mulf %parallel_loop3A_186, %parallel_loop3A_184 : vector<16xf32>
      %parallel_loop3A_188 = arith.index_cast %parallel_loop3A_181 : i32 to index
      %parallel_loop3A_189 = tpu.vector_load %arg10[%parallel_loop3A_188] {strides = array<i32>} : memref<2048xf32, #tpu.memory_space<vmem>>, vector<16xf32>,
      tpu.vector_store %arg10[%parallel_loop3A_188], %parallel_loop3A_187 {strides = array<i32>} : memref<2048xf32, #tpu.memory_space<vmem>>, vector<16xf32>,
    } {sc.loop_unroll_factor = 4 : i64, sc.parallel_access}
    "tpu.region"() ({
      %run_scoped3A = tpu.sem_alloc : memref<!tpu.dma_semaphore, #tpu.memory_space<semaphore_mem>>
      %dma_start3A = tpu.memref_slice %arg4[%mul3A_0] : memref<32768xf32, #tpu.memory_space<hbm>> -> memref<2048xf32, #tpu.memory_space<hbm>>
      %dma_start3A_179 = tpu.memref_slice %arg4[%mul3A_0] : memref<32768xf32, #tpu.memory_space<hbm>> -> memref<2048xf32, #tpu.memory_space<hbm>>
      tpu.enqueue_dma source(%arg10 : memref<2048xf32, #tpu.memory_space<vmem>>) target(%dma_start3A_179 : memref<2048xf32, #tpu.memory_space<hbm>>) target_semaphore(%run_scoped3A : memref<!tpu.dma_semaphore, #tpu.memory_space<semaphore_mem>>)
      %dma_wait3A = tpu.memref_slice %arg4[%mul3A_0] : memref<32768xf32, #tpu.memory_space<hbm>> -> memref<2048xf32, #tpu.memory_space<hbm>>
      %dma_wait3A_180 = tpu.memref_slice %arg4[%mul3A_0] : memref<32768xf32, #tpu.memory_space<hbm>> -> memref<2048xf32, #tpu.memory_space<hbm>>
      tpu.wait_dma2 semaphore(%run_scoped3A : memref<!tpu.dma_semaphore, #tpu.memory_space<semaphore_mem>>) src(%arg10 : memref<2048xf32, #tpu.memory_space<vmem>>) dst(%dma_wait3A_180 : memref<2048xf32, #tpu.memory_space<hbm>>)
      tpu.yield
    }) : () -> ()
    return
  }
}

module attributes {stable_mosaic.version = 14 : i64} {
  func.func @_tc_matvec(%arg0: i32, %arg1: memref<32x16384xf32, #tpu.memory_space<vmem>>, %arg2: memref<1x32xf32, #tpu.memory_space<vmem>>, %arg3: memref<16384xf32, #tpu.memory_space<vmem>>) attributes {dimension_semantics = [#tpu.dimension_semantics<arbitrary>], iteration_bounds = array<i64: 2>, scalar_prefetch = 0 : i64, scratch_operands = 0 : i64, tpu.core_type = #tpu.core_type<tc>, window_params = [{transform_indices = @transform_0, window_bounds = array<i64: 32, 16384>}, {pipeline_mode = #tpu.pipeline_mode<synchronous>, transform_indices = @transform_1, window_bounds = array<i64: 1, 32>}, {transform_indices = @transform_2, window_bounds = array<i64: 16384>}]} {
    %get3A = arith.constant 0 : index
    %get3A_0 = arith.constant 0 : index
    %get3A_1 = vector.load %arg1[%get3A, %get3A_0] : memref<32x16384xf32, #tpu.memory_space<vmem>>, vector<32x16384xf32>
    %get3A_2 = arith.constant 0 : index
    %get3A_3 = arith.constant 0 : index
    %get3A_4 = vector.load %arg2[%get3A_2, %get3A_3] : memref<1x32xf32, #tpu.memory_space<vmem>>, vector<1x32xf32>
    %transpose3A = tpu.transpose %get3A_4, [1, 0] : vector<1x32xf32> -> vector<32x1xf32>
    %mul3A = vector.broadcast %transpose3A : vector<32x1xf32> to vector<32x16384xf32>
    %mul3A_5 = arith.mulf %get3A_1, %mul3A : vector<32x16384xf32>
    %reduce_sum3A = arith.constant dense<0.000000e+00> : vector<16384xf32>
    %reduce_sum3A_6 = vector.multi_reduction <add>, %mul3A_5, %reduce_sum3A [0] : vector<32x16384xf32> to vector<16384xf32>
    %add3A = arith.constant 2.000000e+00 : f32
    %add3A_7 = vector.broadcast %add3A : f32 to vector<16384xf32>
    %add3A_8 = arith.addf %reduce_sum3A_6, %add3A_7 : vector<16384xf32>
    %swap3A = arith.constant 0 : index
    %swap3A_9 = vector.load %arg3[%swap3A] : memref<16384xf32, #tpu.memory_space<vmem>>, vector<16384xf32>
    tpu.vector_store %arg3[%swap3A], %add3A_8 {strides = array<i32>} : memref<16384xf32, #tpu.memory_space<vmem>>, vector<16384xf32>,
    return
  }
  func.func @transform_0(%arg0: i32) -> (i32, i32) {
    %c0_i32 = arith.constant 0 : i32
    %c0_i32_0 = arith.constant 0 : i32
    return %c0_i32, %arg0 : i32, i32
  }
  func.func @transform_1(%arg0: i32) -> (i32, i32) {
    %c0_i32 = arith.constant 0 : i32
    %c0_i32_0 = arith.constant 0 : i32
    %c0_i32_1 = arith.constant 0 : i32
    return %c0_i32, %c0_i32_0 : i32, i32
  }
  func.func @transform_2(%arg0: i32) -> i32 {
    %c0_i32 = arith.constant 0 : i32
    return %arg0 : i32
  }
}

</mosaic_0001>

<sc_bundles>
// kernel: kernel.4.cloned.1.call-start
scs
__scs_entry_jumppad:
0x0: {  	(pc) =	sbr.rel $0x88, $3  }
0x1: {  	(tag) =	ssettag $0x0;
	lr =	simm.s32 $0x1  }
0x2: {  	[smem:$0x3F9E] =	sst lr;
	_ =	strace $0xD0000000  }
0x3: {  	_ = 	snop  }
0x4: {  	_ = 	snop  }
0x5: {  	_ = 	snop  }
0x6: {  	_ = 	snop  }
0x7: {  	_ = 	snop  }
__scs_overlays_trampoline_lowered:
0x8: {  	[smem:$0x3FAD] =	sst s0  }
0x9: {  	[smem:$0x3FAE] =	sst s1  }
0xa: {  	[smem:$0x3FAF] =	sst s2  }
0xb: {  	[smem:$0x3FB0] =	sst s3  }
0xc: {  	[smem:$0x3FB1] =	sst s4  }
0xd: {  	[smem:$0x3FB2] =	sst s5  }
0xe: {  	[smem:$0x3FB3] =	sst s6  }
0xf: {  	[smem:$0x3FB4] =	sst s7  }
0x10: {  	[smem:$0x3FB5] =	sst s8  }
0x11: {  	[smem:$0x3FB6] =	sst s9;
	s0 =	simm.s32 @!p0 $0x0  }
0x12: {  	s1 =	sld [smem:$0x3F9C];
	s0 =	simm.s32 @p0 $0x1  }
0x13: {  	[smem:$0x3FB7] =	sst s0;
	s0 =	simm.s32 @!p1 $0x0  }
0x14: {  	s2 =	sld [smem:$0x3F9B];
	s0 =	simm.s32 @p1 $0x1  }
0x15: {  	[smem:$0x3FB8] =	sst s0;
	s0 =	simm.s32 @!p2 $0x0  }
0x16: {  	s3 =	sld [smem:$0x3FDB];
	s0 =	simm.s32 @p2 $0x1  }
0x17: {  	s4 =	simm.s32 $0x1BF5;
	[smem:$0x3FBA] =	sst s0  }
0x18: {  	s0 =	sld [smem:$0x3F9D];
	_ =	swait.ge [sflag:s4], $0x0  }
0x19: {  	s7 =	sld [smem:$0x3F9E]  }
0x1a: {  	s8 =	sadd.s32 $0xFFFFE003, lr  }
0x1b: {  	s9 =	sadd.s32 $0xFFFFFEF7, lr;
	s5 =	simm.s32 $0xFFFFFFFF;
	p2 =	slt.u32 s8, $0xFFFFF086  }
0x1c: {  	p1 =	slt.u32 s9, $0xF7A;
	s5 =	simm.s32 @!p2 $0x0  }
0x1d: {  	s5 =	simm.s32 @p1 $0x1;
	p0 =	seq.s32 s7, s2  }
0x1e: {  	s7 =	smul.u32 @!p0 $0xF7A, s2;
	p2 =	seq.s32 @!p0 s5, $0x0  }
0x1f: {  	s9 =	smul.u32 $0xF7A, s1;
	s8 =	simm.s32 @!p0 $0x1BF5;
	p2 =	por !p2, p0  }
0x20: {  	[sflag:s8] =	ssyncset.s32 @!p0 $0xFFFFF086;
	s6 =	sadd.s32 @!p0 s3, s7;
	s7 =	simm.s32 @!p0 $0x108  }
0x21: {  	s3 =	sadd.s32 s3, s9;
	s6 =	sadd.s32 @!p0 $0x88, s6;
	s7 =	simm.s32 @p2 $0x1082  }
0x22: {  	[simem:s7], [sflag:s8] =	dma.local @!p0 [hbm:s6], $0xF7A  }
0x23: {  	s9 =	sor.u32 $0xD0000000, s2;
	s6 =	simm.s32 $0x108;
	_ =	swait.ge @!p0 [sflag:s8], $0x0  }
0x24: {  	s3 =	sadd.s32 $0x88, s3;
	s6 =	simm.s32 @!p1 $0x1082;
	[sflag:s4] =	ssyncset.s32 $0xFFFFF086  }
0x25: {  	[simem:s6], [sflag:s4] =	dma.local [hbm:s3], $0xF7A  }
0x26: {  	[smem:$0x3F9E] =	sst s1;
	(tag) =	ssettag s2;
	_ =	strace s9  }
0x27: {  	s1 =	sld [smem:$0x3FAE]  }
0x28: {  	s2 =	sld [smem:$0x3FAF]  }
0x29: {  	s4 =	sld [smem:$0x3FB1]  }
0x2a: {  	p0 =	seq.s32 s5, $0x0;
	s5 =	sld [smem:$0x3FB2]  }
0x2b: {  	s6 =	sld [smem:$0x3FB3]  }
0x2c: {  	s7 =	sld [smem:$0x3FB4]  }
0x2d: {  	s3 =	simm.s32 $0x108;
	s8 =	sld [smem:$0x3FB5]  }
0x2e: {  	s3 =	simm.s32 @!p0 $0x1082;
	s9 =	sld [smem:$0x3FB6]  }
0x2f: {  	lr =	sadd.s32 s0, s3;
	s0 =	sld [smem:$0x3FAD]  }
0x30: {  	s3 =	sld [smem:$0x3FB0]  }
0x31: {  	[smem:$0x3FB9] =	sst s10  }
0x32: {  	s10 =	sld [smem:$0x3FB7];
	_ =	sdelay $0x3  }
0x33: {  	p0 =	seq.s32 s10, $0x1;
	s10 =	sld [smem:$0x3FB9];
	_ =	sdelay $0x3  }
0x34: {  	[smem:$0x3FB9] =	sst s10  }
0x35: {  	s10 =	sld [smem:$0x3FB8];
	_ =	sdelay $0x3  }
0x36: {  	p1 =	seq.s32 s10, $0x1;
	s10 =	sld [smem:$0x3FB9];
	_ =	sdelay $0x3  }
0x37: {  	[smem:$0x3FB9] =	sst s10  }
0x38: {  	s10 =	sld [smem:$0x3FBA]  }
0x39: {  	_ = 	snop;
	(pc) =	sbr.ind lr, $3  }
0x3a: {  	_ = 	snop  }
0x3b: {  	_ = 	snop  }
0x3c: {  	p2 =	seq.s32 s10, $0x1;
	s10 =	sld [smem:$0x3FB9]  }
0x3d: {  	_ =	shalt  }
0x3e: {  	_ =	shalt  }
0x3f: {  	_ =	shalt  }
0x40: {  	_ =	shalt  }
0x41: {  	_ =	shalt  }
0x42: {  	_ =	shalt  }
0x43: {  	_ =	shalt  }
0x44: {  	_ =	shalt  }
0x45: {  	_ =	shalt  }
0x46: {  	_ =	shalt  }
0x47: {  	_ =	shalt  }
0x48: {  	_ =	shalt  }
0x49: {  	_ =	shalt  }
0x4a: {  	_ =	shalt  }
0x4b: {  	_ =	shalt  }
0x4c: {  	_ =	shalt  }
0x4d: {  	_ =	shalt  }
0x4e: {  	_ =	shalt  }
0x4f: {  	_ =	shalt  }
0x50: {  	_ =	shalt  }
0x51: {  	_ =	shalt  }
0x52: {  	_ =	shalt  }
0x53: {  	_ =	shalt  }
0x54: {  	_ =	shalt  }
0x55: {  	_ =	shalt  }
0x56: {  	_ =	shalt  }
0x57: {  	_ =	shalt  }
0x58: {  	_ =	shalt  }
0x59: {  	_ =	shalt  }
0x5a: {  	_ =	shalt  }
0x5b: {  	_ =	shalt  }
0x5c: {  	_ =	shalt  }
0x5d: {  	_ =	shalt  }
0x5e: {  	_ =	shalt  }
0x5f: {  	_ =	shalt  }
0x60: {  	_ =	shalt  }
0x61: {  	_ =	shalt  }
0x62: {  	_ =	shalt  }
0x63: {  	_ =	shalt  }
0x64: {  	_ =	shalt  }
0x65: {  	_ =	shalt  }
0x66: {  	_ =	shalt  }
0x67: {  	_ =	shalt  }
0x68: {  	_ =	shalt  }
0x69: {  	_ =	shalt  }
0x6a: {  	_ =	shalt  }
0x6b: {  	_ =	shalt  }
0x6c: {  	_ =	shalt  }
0x6d: {  	_ =	shalt  }
0x6e: {  	_ =	shalt  }
0x6f: {  	_ =	shalt  }
0x70: {  	_ =	shalt  }
0x71: {  	_ =	shalt  }
0x72: {  	_ =	shalt  }
0x73: {  	_ =	shalt  }
0x74: {  	_ =	shalt  }
0x75: {  	_ =	shalt  }
0x76: {  	_ =	shalt  }
0x77: {  	_ =	shalt  }
0x78: {  	_ =	shalt  }
0x79: {  	_ =	shalt  }
0x7a: {  	_ =	shalt  }
0x7b: {  	_ =	shalt  }
0x7c: {  	_ =	shalt  }
0x7d: {  	_ =	shalt  }
0x7e: {  	_ =	shalt  }
0x7f: {  	_ =	shalt  }
0x80: {  	_ =	shalt  }
0x81: {  	_ =	shalt  }
0x82: {  	_ =	shalt  }
0x83: {  	_ =	shalt  }
0x84: {  	_ =	shalt  }
0x85: {  	_ =	shalt  }
0x86: {  	_ =	shalt  }
0x87: {  	_ =	shalt  }
.Lfunc_end0:
.L_simem_size_0:
called_computation_lowered:
.L_overlay_start_0:
0x88: {  	s0 =	sld [smem:$0x3FD9]  }
0x89: {  	s1 =	sld [smem:$0x3FFE];
	_ =	sdelay $0x3  }
0x8a: {  	s0 =	sadd.s32 s1, s0  }
0x8b: {  	[smem:$0x3FC5] =	sst s0  }
0x8c: {  	_ = 	snop  }
0x8d: {  	s0 =	sld [smem:$0x3FC8]  }
0x8e: {  	s16 =	sld [smem:$0x3FD0];
	(tm) =	ssettm $0x1  }
0x8f: {  	s2 =	sld [smem:$0x3FFB];
	_ =	sdelay $0x3  }
0x90: {  	_ =	strace s2  }
0x91: {  	s2 =	sld [smem:$0x3FFC];
	_ =	sdelay $0x3  }
0x92: {  	_ =	strace s2  }
0x93: {  	s2 =	sld [smem:$0x3FFD];
	_ =	sdelay $0x3  }
0x94: {  	_ =	strace s2  }
0x95: {  	_ =	strace $0x8FFFFFFF  }
0x96: {  	s17 =	sld [smem:$0x3FDB];
	_ =	sdelay $0x1  }
0x97: {  	s3 =	simm.s32 $_scs_section_size  }
0x98: {  	s4 =	simm.s32 $_size__tile_overlayer_lowered;
	s5 =	simm.s32 $_tile_overlayer_lowered  }
0x99: {  	s20 =	simm.s32 $0x1BFF;
	s19 =	sshll.u32 s5, $0x1;
	s2 =	sadd.s32 s3, s17  }
0x9a: {  	s6 =	simm.s32 $0x0;
	s18 =	sshll.u32 s4, $0x1;
	s4 =	sadd.s32 s19, s2  }
0x9b: {  	[timem:s6], [sflag:s20] =	dma.local [hbm:s4], s18  }
0x9c: {  	_ =	swait.ge [sflag:s20], s18  }
0x9d: {  	s3 =	ssub.s32 $0x0, s18;
	[sflag:s20] =	ssyncset.done $0x0  }
0x9e: {  	[sflag:s20] =	ssyncadd.s32 s3;
	_ =	sdelay $0x1  }
0x9f: {  	s21 =	simm.s32 $0x1B8B  }
0xa0: {  	_ =	swait.ge [sflag:s21], $0x1  }
0xa1: {  	[sflag:s21] =	ssyncset.done $0x0  }
0xa2: {  	s23 =	simm.s32 $0x1B8E;
	s22 =	sld [smem:$0x3FFE];
	[sflag:s21] =	ssyncadd.s32 $0xFFFFFFFF  }
0xa3: {  	s24 =	simm.s32 $execute0_lowered;
	[smem:$0x3FD2] =	sst s23  }
0xa4: {  	s4 =	sshll.u32 s24, $0x1;
	_ =	strace $0x80000046;
	[dreg:$0x1] =	wrdreg $0xFFFFFFFF  }
0xa5: {  	s25 =	simm.s32 $_size_execute0_lowered;
	s2 =	sadd.s32 s2, s4;
	[dreg:$0x0] =	wrdreg $0x0  }
0xa6: {  	s4 =	sshll.u32 s25, $0x1;
	[dreg:$0x2] =	wrdreg s2  }
0xa7: {  	[dreg:$0x3] =	wrdreg s4  }
0xa8: {  	[dreg:$0x4] =	wrdreg $0xC0  }
0xa9: {  	_ =	task [dreg:s6], $0x5FFFF  }
0xaa: {  	[dreg:$0x1] =	wrdreg $0xFFFFFFFF  }
0xab: {  	[dreg:$0x0] =	wrdreg $0x60  }
0xac: {  	[dreg:$0x2] =	wrdreg s22  }
0xad: {  	[dreg:$0x3] =	wrdreg s0  }
0xae: {  	[dreg:$0x4] =	wrdreg s16  }
0xaf: {  	[dreg:$0x5] =	wrdreg $0x1C000  }
0xb0: {  	[dreg:$0x6] =	wrdreg $0x1C100  }
0xb1: {  	[dreg:$0x7] =	wrdreg $0x9  }
0xb2: {  	_ =	task.clear_ibuf [dreg:s6], $0x8FFFF;
	_ =	strace $0x90000046  }
0xb3: {  	s26 =	simm.s32 $0x9;
	_ =	strace $0x80000048  }
0xb4: {  	_ =	swait.ge [sflag:s26], $0x1  }
0xb5: {  	[sflag:s26] =	ssyncadd.s32 $0xFFFFFFFF  }
0xb6: {  	_ =	strace $0x90000048  }
0xb7: {  	_ =	sfence  }
0xb8: {  	s28 =	sld [smem:$0x0];
	_ =	sdelay $0x1  }
0xb9: {  	s29 =	srdreg.scid  }
0xba: {  	s30 =	sshll.u32 s29, $0xD;
	s31 =	sshrl.u32 s29, $0x2  }
0xbb: {  	s1 =	sand.u32 $0x1, s29;
	s2 =	sand.u32 $0x4000, s30;
	s0 =	sadd.s32 s31, s28  }
0xbc: {  	s1 =	sor.u32 s2, s1;
	s0 =	sshll.u32 s0, $0x11  }
0xbd: {  	s0 =	sor.u32 s0, s1  }
0xbe: {  	s0 =	sadd.s32 $0x8F2B, s0  }
0xbf: {  	[sflag:s0] =	ssyncadd.remote.s32 $0x1  }
0xc0: {  	_ =	sfence.sel $0xFFFF  }
0xc1: {  	[dreg:$0x0] =	wrdreg $0xFFFFFFFF;
	(pc) =	sbr.abs _section_cstart, $3  }
0xc2: {  	[dreg:$0x1] =	wrdreg $0xFFFFFFFF  }
0xc3: {  	_ =	task.clear_ibuf [dreg:s6], $0x2FFFF;
	_ =	strace $0x9FFFFFFF  }
0xc4: {  	(tm) =	ssettm $0x7FFFFFFF  }
0xc5: {  	_ =	shalt  }
tec
execute0_lowered:
.L_overlay_start_1:
0x0: {  	(tag) =	ssettag $0x1  }
0x1: {  	s7 =	rddreg [dreg:$0x0]  }
0x2: {  	s8 =	rddreg [dreg:$0x1]  }
0x3: {  	s3 =	rddreg [dreg:$0x2]  }
0x4: {  	s5 =	rddreg [dreg:$0x3];
	s1 =	stileid.u32  }
0x5: {  	s2 =	rddreg [dreg:$0x4];
	s4 =	simm.s32 $0x0;
	s6 =	sshll.u32 s1, $0x8  }
0x6: {  	[smem:$0x7FF] =	sst s4;
	s7 =	sadd.s32 s6, s7  }
0x7: {  	s0 =	rddreg [dreg:$0x5];
	_ =	strace $0x80000047;
	s7 =	sadd.s32 $0xA00, s7  }
0x8: {  	[tilespmem:s4], [sflag:$0x1] =	stream.linear.gather [hbm4b:s7+s4], $0x800, $0x38;
	[tilespmem:$0x1C20] =	vst v63  }
0x9: {  	s7 =	simm.s32 $0x1  }
0xa: {  	_ =	swait.ge [sflag:s7], $0x800  }
0xb: {  	[sflag:s7] =	ssyncset.done $0x0  }
0xc: {  	s9 =	simm.s32 $0x800;
	s8 =	sadd.s32 s8, s6;
	[sflag:s7] =	ssyncadd.s32 $0xFFFFF800  }
0xd: {  	[tilespmem:s9], [sflag:$0x1] =	stream.linear.gather [hbm4b:s8+s4], $0x800, $0x38;
	[tilespmem:$0x1C20] =	vst v63  }
0xe: {  	_ =	swait.ge [sflag:s7], $0x800  }
0xf: {  	[sflag:s7] =	ssyncset.done $0x0  }
0x10: {  	[sflag:s7] =	ssyncadd.s32 $0xFFFFF800  }
0x11: {  	v0 =	vld [tilespmem:$0x800]  }
0x12: {  	v1 =	vld [tilespmem:$0xFF0];
	_ =	sdelay $0x3  }
0x13: {  	v0 =	vxor.u32 $0x80000000, v0  }
0x14: {  	v59 =	vxor.u32 $0x80000000, v1;
	(xrf0) =	vmin.scan.msk.u32 $0xffff, v0  }
0x15: {  	(xrf0) =	vmax.scan.msk.u32 $0xffff, v59;
	_ =	sdelay $0x4  }
0x16: {  	v60, _, _ =	vpop (xrf0)  }
0x17: {  	(v2sf) =	vpush v60, $0xF;
	v61, _, _ =	vpop (xrf0)  }
0x18: {  	(v2sf) =	vpush v61, $0xF;
	_ =	sdelay $0xd  }
0x19: {  	s30 =	spop (v2sf)  }
0x1a: {  	s31 =	spop (v2sf)  }
0x1b: {  	s8 =	sxor.u32 $0x80000000, s30;
	s10 =	sadd.s32 $0x80000001, s31  }
0x1c: {  	p0 =	sge.s32 s8, s10  }
.Ltmp0:
0x1d: {  	_ = 	snop;
	(pc) =	sbr.rel @p0 .LBB2_5-.Ltmp0, $4  }
0x1e: {  	_ = 	snop  }
0x1f: {  	v62 =	vimm.s32 $0xFFFFFFFF  }
0x20: {  	v63 =	vimm.f32 $-Inf;
	s9 =	sshll.u32 s1, $0x4;
	[tilespmem:$0x1000] =	vst v62  }
0x21: {  	s11 =	sadd.s32 s9, s5;
	[tilespmem:$0x1080] =	vst v63  }
0x22: {  	s12 =	simm.s32 $0x1080  }
.LBB2_2:
0x23: {  	s13 =	simm.s32 $0x0  }
0x24: {  	v10 =	vld [tilespmem:s13+$0x800]  }
0x25: {  	v11 =	vld [tilespmem:s13+$0x0]  }
0x26: {  	v1 =	vld [tilespmem:s13+$0x810]  }
0x27: {  	v8 =	vld [tilespmem:s13+$0x10]  }
0x28: {  	v6 =	vld [tilespmem:s13+$0x820]  }
0x29: {  	v0 =	vmov s8;
	v5 =	vimm.f32 $-Inf;
	v7 =	vld [tilespmem:s13+$0x20]  }
0x2a: {  	s14 =	simm.s32 $0x100;
	v2 =	vimm.f32 $-Inf;
	v3 =	vimm.f32 $-Inf;
	v4 =	vimm.f32 $-Inf;
	v9 =	vld [tilespmem:s13+$0x830]  }
.LBB2_3:
0x2b: {  	p0 =	sne.s32 s14, $0x1F00;
	v12 =	vld [tilespmem:s13+$0x30];
	s13 =	sshra.s32 s14, $0x2  }
0x2c: {  	v13 =	vld [tilespmem:s13+$0x800];
	v14 =	vmov v8  }
0x2d: {  	v15 =	vld [tilespmem:s13+$0x0]  }
.Ltmp1:
0x2e: {  	vm0 =	veq.s32 v10, v0;
	v10 =	vmax.f32 v5, v11;
	vm1 =	veq.s32 v1, v0;
	v1 =	vld [tilespmem:s13+$0x810];
	(pc) =	sbr.rel @p0 .LBB2_3-.Ltmp1, $4  }
0x2f: {  	v5 =	vsel vm0, v10, v5;
	vm0 =	veq.s32 v6, v0;
	v8 =	vld [tilespmem:s13+$0x10];
	vm2 =	veq.s32 v9, v0  }
0x30: {  	v9 =	vmax.f32 v2, v14;
	v14 =	vmax.f32 v3, v7;
	v6 =	vld [tilespmem:s13+$0x820];
	v12 =	vmax.f32 v4, v12  }
0x31: {  	v2 =	vsel vm1, v9, v2;
	v3 =	vsel vm0, v14, v3;
	v7 =	vld [tilespmem:s13+$0x20];
	v4 =	vsel vm2, v12, v4;
	v10 =	vmovc v13  }
0x32: {  	s14 =	sadd.s32 $0x100, s14;
	v9 =	vld [tilespmem:s13+$0x830];
	v11 =	vmov v15  }
0x33: {  	v12 =	vld [tilespmem:s13+$0x30];
	_ =	sdelay $0x2  }
0x34: {  	vm0 =	veq.s32 v10, v0;
	v58 =	vmax.f32 v5, v11;
	vm1 =	veq.s32 v1, v0  }
0x35: {  	v59 =	vsel vm0, v58, v5;
	v60 =	vmax.f32 v2, v8;
	vm15 =	veq.s32 v6, v0  }
0x36: {  	v61 =	vmax.f32 v3, v7;
	vm2 =	veq.s32 v9, v0;
	v62 =	vmax.f32 v4, v12  }
0x37: {  	v2 =	vsel vm1, v60, v2;
	v3 =	vsel vm15, v61, v3;
	v4 =	vsel vm2, v62, v4  }
0x38: {  	v1 =	vmax.f32 v59, v2;
	v63 =	vmax.f32 v3, v4  }
0x39: {  	v1 =	vmax.f32 v1, v63  }
0x3a: {  	(xrf0) =	vmax.scan.msk.f32 $0xffff, v1;
	_ =	sdelay $0x2  }
0x3b: {  	s8 =	sadd.s32 $0x1, s8  }
0x3c: {  	p0 =	sne.s32 s8, s10  }
.Ltmp2:
0x3d: {  	_ = 	snop;
	(pc) =	sbr.rel @p0 .LBB2_2-.Ltmp2, $3  }
0x3e: {  	v1, _, _ =	vpop (xrf0)  }
0x3f: {  	v1 =	vbroadcast v1, $0xF;
	_ =	sdelay $0x1  }
0x40: {  	[tilespmem:v0+s12+$0x0] =	vst.idx.msk $0x1, v1  }
.LBB2_5:
0x41: {  	s8 =	simm.s32 $0x1080  }
0x42: {  	[spmem:s11] =	stream.linear.scatter [tilespmem:s8], [sflag:$0x1], $0x10, $0x38;
	[tilespmem:$0x1C20] =	vst v63  }
0x43: {  	_ =	swait.ge [sflag:s7], $0x10  }
0x44: {  	[sflag:s7] =	ssyncset.done $0x0  }
0x45: {  	[sflag:s7] =	ssyncadd.s32 $0xFFFFFFF0  }
0x46: {  	s28 =	simm.s32 $0x1100;
	[bflag:$0x0] =	sbarrier.arrive $0xFFFF  }
0x47: {  	[tilespmem:s28], [sflag:$0x1] =	stream.linear.gather [spmem:s5], $0x100, $0x38;
	[tilespmem:$0x1C20] =	vst v63  }
0x48: {  	_ =	swait.ge [sflag:s7], $0x100  }
0x49: {  	[sflag:s7] =	ssyncset.done $0x0  }
0x4a: {  	[sflag:s7] =	ssyncadd.s32 $0xFFFFFF00  }
0x4b: {  	v0 =	vld [tilespmem:$0x1100]  }
0x4c: {  	v1 =	vld [tilespmem:$0x1110]  }
0x4d: {  	v2 =	vld [tilespmem:$0x1120]  }
0x4e: {  	v3 =	vld [tilespmem:$0x1130]  }
0x4f: {  	v4 =	vld [tilespmem:$0x1140]  }
0x50: {  	v5 =	vld [tilespmem:$0x1150]  }
0x51: {  	v0 =	vmax.f32 v0, v1;
	v1 =	vld [tilespmem:$0x1160]  }
0x52: {  	v0 =	vmax.f32 v0, v2;
	v2 =	vld [tilespmem:$0x1170]  }
0x53: {  	v0 =	vmax.f32 v0, v3;
	v3 =	vld [tilespmem:$0x1180]  }
0x54: {  	v0 =	vmax.f32 v0, v4;
	v4 =	vld [tilespmem:$0x1190]  }
0x55: {  	v0 =	vmax.f32 v0, v5;
	v5 =	vld [tilespmem:$0x11A0]  }
0x56: {  	v0 =	vmax.f32 v0, v1;
	v1 =	vld [tilespmem:$0x11B0]  }
0x57: {  	v0 =	vmax.f32 v0, v2;
	v2 =	vld [tilespmem:$0x11C0]  }
0x58: {  	v0 =	vmax.f32 v0, v3;
	v3 =	vld [tilespmem:$0x11D0]  }
0x59: {  	v0 =	vmax.f32 v0, v4;
	v4 =	vld [tilespmem:$0x11E0]  }
0x5a: {  	v0 =	vmax.f32 v0, v5;
	v5 =	vld [tilespmem:$0x11F0]  }
0x5b: {  	v0 =	vmax.f32 v0, v1  }
0x5c: {  	v0 =	vmax.f32 v0, v2  }
0x5d: {  	v0 =	vmax.f32 v0, v3  }
0x5e: {  	v0 =	vmax.f32 v0, v4  }
0x5f: {  	v0 =	vmax.f32 v0, v5  }
0x60: {  	[tilespmem:$0x1200] =	vst v0;
	v0 =	vimm.f32 $0.0e+00  }
0x61: {  	s29 =	simm.s32 $0x820;
	[tilespmem:$0x1080] =	vst v0  }
0x62: {  	v0 =	vld [tilespmem:s29+$0xFFFFFFE0]  }
0x63: {  	v1 =	vld [tilespmem:s29+$0x10]  }
0x64: {  	v2 =	vld [tilespmem:s29+$0x0]  }
0x65: {  	s10 =	simm.s32 $0x20;
	v3 =	vld [tilespmem:s29+$0xFFFFFFF0]  }
0x66: {  	v4 =	vld [tilespmem:s10+$0xFFFFFFF0]  }
0x67: {  	v5 =	vld [tilespmem:s10+$0x0]  }
0x68: {  	v6 =	vld [tilespmem:s10+$0x10]  }
0x69: {  	s30 =	simm.s32 $0x860;
	v7 =	vld [tilespmem:s10+$0xFFFFFFE0]  }
0x6a: {  	v8 =	vld [tilespmem:s30+$0xFFFFFFE0]  }
0x6b: {  	v9 =	vld [tilespmem:s30+$0x10]  }
0x6c: {  	s11 =	simm.s32 $0x1200;
	v10 =	vld [tilespmem:s30+$0x0]  }
0x6d: {  	v1 =	vld.idx.msk [tilespmem:v1+s11+$0x0], $0xffff  }
0x6e: {  	v0 =	vld.idx.msk [tilespmem:v0+s11+$0x0], $0xffff  }
0x6f: {  	v11 =	vld [tilespmem:s30+$0xFFFFFFF0]  }
0x70: {  	s8 =	simm.s32 $0x60;
	v2 =	vld.idx.msk [tilespmem:v2+s11+$0x0], $0xffff  }
0x71: {  	v13 =	vld [tilespmem:s8+$0xFFFFFFE0]  }
0x72: {  	v3 =	vld.idx.msk [tilespmem:v3+s11+$0x0], $0xffff;
	v1 =	vsub.f32 v6, v1  }
0x73: {  	v6 =	vld [tilespmem:s8+$0xFFFFFFF0];
	v0 =	vsub.f32 v7, v0  }
0x74: {  	s31 =	simm.s32 $0x8A0;
	v7 =	vld [tilespmem:s8+$0x10];
	v1 =	vmul.f32 $1.442695020e+00, v1  }
0x75: {  	v2 =	vsub.f32 v5, v2;
	v5 =	vld [tilespmem:s31+$0x0];
	v0 =	vmul.f32 $1.442695020e+00, v0  }
0x76: {  	(erf) = vpow2.f32 v1;
	v1 =	vld.idx.msk [tilespmem:v8+s11+$0x0], $0xffff  }
0x77: {  	v8 =	vld.idx.msk [tilespmem:v9+s11+$0x0], $0xffff;
	(erf) = vpow2.f32 v0;
	v0 =	vsub.f32 v4, v3  }
0x78: {  	v9 =	vld.idx.msk [tilespmem:v10+s11+$0x0], $0xffff  }
0x79: {  	v3 =	vld [tilespmem:s31+$0xFFFFFFE0];
	v0 =	vmul.f32 $1.442695020e+00, v0  }
0x7a: {  	v10 =	vld.idx.msk [tilespmem:v11+s11+$0x0], $0xffff  }
0x7b: {  	v11 =	vld [tilespmem:s31+$0xFFFFFFF0];
	(erf) = vpow2.f32 v0  }
0x7c: {  	v2 =	vmul.f32 $1.442695020e+00, v2;
	v4 =	vld [tilespmem:s31+$0x10]  }
0x7d: {  	s5 =	simm.s32 $0xA0;
	v12 =	vld [tilespmem:s8+$0x0];
	v0 =	vsub.f32 v7, v8  }
0x7e: {  	v14 =	vld [tilespmem:s5+$0x10];
	(erf) = vpow2.f32 v2  }
0x7f: {  	v15 =	vld [tilespmem:s5+$0xFFFFFFE0];
	v1 =	vsub.f32 v13, v1;
	v13 =	vmul.f32 $1.442695020e+00, v0  }
0x80: {  	v17 =	vld.idx.msk [tilespmem:v5+s11+$0x0], $0xffff;
	v2 =	vpop (erf)  }
0x81: {  	v1 =	vmul.f32 $1.442695020e+00, v1;
	(erf) = vpow2.f32 v13;
	v13 =	vld.idx.msk [tilespmem:v3+s11+$0x0], $0xffff;
	v3 =	vsub.f32 v6, v10;
	(xrf2) =	vadd.scan.msk.f32 $0xffff, v2  }
0x82: {  	v8 =	vld [tilespmem:s5+$0xFFFFFFF0];
	v0 =	vpop (erf)  }
0x83: {  	(erf) = vpow2.f32 v1;
	v1 =	vsub.f32 v12, v9;
	v9 =	vld.idx.msk [tilespmem:v11+s11+$0x0], $0xffff;
	(xrf2) =	vadd.scan.msk.f32 $0xffff, v0;
	v5 =	vmul.f32 $1.442695020e+00, v3  }
0x84: {  	v16 =	vld.idx.msk [tilespmem:v4+s11+$0x0], $0xffff;
	v6 =	vpop (erf)  }
0x85: {  	s14 =	simm.s32 $0x8E0;
	v7 =	vld [tilespmem:s5+$0x0];
	(erf) = vpow2.f32 v5;
	(xrf2) =	vadd.scan.msk.f32 $0xffff, v6  }
0x86: {  	v3 =	vld [tilespmem:s14+$0xFFFFFFE0];
	v1 =	vmul.f32 $1.442695020e+00, v1  }
0x87: {  	v4 =	vld [tilespmem:s14+$0x10];
	v10 =	vmov s4;
	[tilespmem:s10+$0x10] =	vst v2;
	v11 =	vpop (erf)  }
0x88: {  	v2 =	vld [tilespmem:s14+$0x0];
	v12 =	vsub.f32 v15, v13;
	(erf) = vpow2.f32 v1;
	v9 =	vsub.f32 v8, v9;
	(xrf2) =	vadd.scan.msk.f32 $0xffff, v11  }
0x89: {  	s7 =	simm.s32 $0xE0;
	v5 =	vld [tilespmem:s14+$0xFFFFFFF0];
	v13 =	vsub.f32 v14, v16;
	v1 =	vand.u32 $0xFFFFFFFC, v10  }
0x8a: {  	s12 =	simm.s32 $0x1;
	[tilespmem:s10+$0xFFFFFFF0] =	vst v6;
	v6 =	vld [tilespmem:s7+$0xFFFFFFF0];
	v10 =	vmul.f32 $1.442695020e+00, v12;
	v12 =	vsub.f32 v7, v17;
	v7 =	vbroadcast v1, $0x0;
	v16 =	vpop (erf)  }
0x8b: {  	s3 =	sadd.s32 s3, s6;
	s6 =	simm.s32 $0x1B00;
	s13 =	simm.s32 $0x4;
	v8 =	vld [tilespmem:s7+$0x10];
	[tilespmem:s10+$0x0] =	vst v11;
	v18 =	vmul.f32 $1.442695020e+00, v13;
	v11 =	vmov s12;
	v14, _, _ =	vpop (xrf2);
	(xrf2) =	vadd.scan.msk.f32 $0xffff, v16  }
0x8c: {  	s16 =	simm.s32 $0x3;
	s15 =	simm.s32 $0x10;
	s17 =	simm.s32 $0x2;
	v1 =	vld [tilespmem:s7+$0x0];
	v15 =	vand.u32 $0xFFFFFFFD, v11;
	v12 =	vmul.f32 $1.442695020e+00, v12;
	[tilespmem:s8+$0x10] =	vst v16;
	v16 =	vmul.f32 $1.442695020e+00, v9;
	v9 =	vpop (erf)  }
0x8d: {  	s4 =	sadd.s32 s9, s2;
	s9 =	simm.s32 $0xC;
	s12 =	simm.s32 $0x8;
	v13 =	vld [tilespmem:s7+$0xFFFFFFE0];
	(erf) = vpow2.f32 v18;
	v11 =	vbroadcast v14, $0xF;
	v17, _, _ =	vpop (xrf2);
	v14 =	vmov s16  }
.LBB2_6:
0x8e: {  	p0 =	slt.u32 s15, $0x7C;
	v18 =	vld.idx.msk [tilespmem:v3+s11+$0x0], $0xffff;
	(xrf2) =	vadd.scan.msk.f32 $0xffff, v9;
	v19 =	vpop (erf);
	v3 =	vbroadcast v17, $0xF;
	v15 =	vbroadcast v15, $0x0;
	v22 =	vmov s17;
	s16 =	smov.u32 s15;
	s15 =	sadd.s32 $0x4, s15  }
0x8f: {  	v20 =	vld.idx.msk [tilespmem:v4+s11+$0x0], $0xffff;
	[tilespmem:s10+$0xFFFFFFE0] =	vst v0;
	v4 =	vand.u32 $0xFFFFFFFE, v22;
	v17, _, _ =	vpop (xrf2);
	v21 =	vmov v6;
	v0 =	vmov v9;
	s10 =	smov.u32 s8;
	s8 =	smov.u32 s5;
	s5 =	smov.u32 s7  }
0x90: {  	v9 =	vld.idx.msk [tilespmem:v2+s11+$0x0], $0xffff;
	(erf) = vpow2.f32 v10;
	[tilespmem:v7+s6+$0x0] =	vst.idx.msk $0x1, v3;
	v22 =	vbroadcast v4, $0x0  }
0x91: {  	s14 =	sadd.s32 $0x40, s14;
	v23 =	vld.idx.msk [tilespmem:v5+s11+$0x0], $0xffff;
	(erf) = vpow2.f32 v16;
	(xrf2) =	vadd.scan.msk.f32 $0xffff, v19;
	v5 =	vpop (erf)  }
0x92: {  	v3 =	vld [tilespmem:s14+$0xFFFFFFE0];
	[tilespmem:v14+s6+$0x0] =	vst.idx.msk $0x1, v11;
	v2, _, _ =	vpop (xrf2)  }
0x93: {  	v6 =	vmov s13;
	v7 =	vbroadcast v17, $0xF;
	v4 =	vld [tilespmem:s14+$0x10];
	[tilespmem:s10+$0x0] =	vst v5;
	v11 =	vbroadcast v2, $0xF  }
0x94: {  	v10 =	vsub.f32 v13, v18;
	v2 =	vld [tilespmem:s14+$0x0];
	(erf) = vpow2.f32 v12;
	[tilespmem:s10+$0xFFFFFFF0] =	vst v19;
	(xrf2) =	vadd.scan.msk.f32 $0xffff, v5  }
.Ltmp3:
0x95: {  	s17 =	sadd.s32 $0x1, s13;
	s7 =	sadd.s32 $0x40, s7;
	v8 =	vsub.f32 v8, v20;
	v12 =	vand.u32 $0xFFFFFFFC, v6;
	v5 =	vld [tilespmem:s14+$0xFFFFFFF0];
	v13, _, _ =	vpop (xrf2);
	[tilespmem:v15+s6+$0x0] =	vst.idx.msk $0x1, v7;
	(pc) =	sbr.rel @p0 .LBB2_6-.Ltmp3, $4  }
0x96: {  	v10 =	vmul.f32 $1.442695020e+00, v10;
	v19 =	vsub.f32 v1, v9;
	v7 =	vbroadcast v12, $0x0;
	v6 =	vld [tilespmem:s7+$0xFFFFFFF0];
	v14 =	vpop (erf);
	[tilespmem:v22+s6+$0x0] =	vst.idx.msk $0x1, v11  }
0x97: {  	s18 =	sadd.s32 $0x3, s13;
	v16 =	vsub.f32 v21, v23;
	v18 =	vmul.f32 $1.442695020e+00, v8;
	v11 =	vmov s17;
	v1 =	vld [tilespmem:s7+$0x0];
	(xrf2) =	vadd.scan.msk.f32 $0xffff, v14  }
0x98: {  	s17 =	sadd.s32 $0x2, s13;
	s13 =	smov.u32 s12;
	s12 =	smov.u32 s9;
	v12 =	vmul.f32 $1.442695020e+00, v19;
	v15 =	vand.u32 $0xFFFFFFFD, v11;
	v11 =	vbroadcast v13, $0xF;
	v8 =	vld [tilespmem:s7+$0x10];
	[tilespmem:s8+$0x10] =	vst v14;
	v17, _, _ =	vpop (xrf2)  }
0x99: {  	s9 =	smov.u32 s16;
	v16 =	vmul.f32 $1.442695020e+00, v16;
	v14 =	vmov s18;
	v13 =	vld [tilespmem:s7+$0xFFFFFFE0];
	(erf) = vpow2.f32 v18;
	v9 =	vpop (erf)  }
0x9a: {  	_ =	sdelay $0x3  }
0x9b: {  	v4 =	vld.idx.msk [tilespmem:v4+s11+$0x0], $0xffff  }
0x9c: {  	v3 =	vld.idx.msk [tilespmem:v3+s11+$0x0], $0xffff  }
0x9d: {  	v2 =	vld.idx.msk [tilespmem:v2+s11+$0x0], $0xffff  }
0x9e: {  	(erf) = vpow2.f32 v10;
	v5 =	vld.idx.msk [tilespmem:v5+s11+$0x0], $0xffff  }
0x9f: {  	(xrf2) =	vadd.scan.msk.f32 $0xffff, v9;
	(erf) = vpow2.f32 v16  }
0xa0: {  	(erf) = vpow2.f32 v12;
	v4 =	vsub.f32 v8, v4  }
0xa1: {  	v10 =	vpop (erf);
	[tilespmem:s10+$0xFFFFFFE0] =	vst v0;
	v12 =	vbroadcast v17, $0xF;
	v8 =	vbroadcast v15, $0x0;
	v3 =	vsub.f32 v13, v3  }
0xa2: {  	(xrf2) =	vadd.scan.msk.f32 $0xffff, v10;
	v63 =	vpop (erf);
	v15 =	vmov s17;
	v1 =	vsub.f32 v1, v2;
	v4 =	vmul.f32 $1.442695020e+00, v4  }
0xa3: {  	(xrf2) =	vadd.scan.msk.f32 $0xffff, v63;
	v5 =	vsub.f32 v6, v5;
	v0 =	vand.u32 $0xFFFFFFFE, v15;
	v3 =	vmul.f32 $1.442695020e+00, v3  }
0xa4: {  	[tilespmem:v7+s6+$0x0] =	vst.idx.msk $0x1, v12;
	v7 =	vmov s13;
	v13, _, _ =	vpop (xrf2);
	v0 =	vbroadcast v0, $0x0;
	v1 =	vmul.f32 $1.442695020e+00, v1  }
0xa5: {  	v7 =	vand.u32 $0xFFFFFFFC, v7;
	v5 =	vmul.f32 $1.442695020e+00, v5;
	v2 =	vpop (erf);
	(erf) = vpow2.f32 v4  }
0xa6: {  	v7 =	vbroadcast v7, $0x0;
	(xrf2) =	vadd.scan.msk.f32 $0xffff, v2;
	(erf) = vpow2.f32 v3;
	v4, _, _ =	vpop (xrf2)  }
0xa7: {  	[tilespmem:s8+$0xFFFFFFE0] =	vst v9;
	v3 =	vpop (erf);
	(erf) = vpow2.f32 v5  }
0xa8: {  	[tilespmem:s8+$0xFFFFFFF0] =	vst v10;
	v4 =	vbroadcast v4, $0xF;
	(erf) = vpow2.f32 v1;
	v1, _, _ =	vpop (xrf2)  }
0xa9: {  	s15 =	sadd.s32 $0x1, s13;
	s16 =	sadd.s32 $0x3, s13;
	v6 =	vbroadcast v13, $0xF;
	[tilespmem:s5+$0x10] =	vst v2;
	(xrf2) =	vadd.scan.msk.f32 $0xffff, v3;
	v2, _, _ =	vpop (xrf2)  }
0xaa: {  	s17 =	sadd.s32 $0x2, s13;
	v10 =	vpop (erf);
	[tilespmem:v0+s6+$0x0] =	vst.idx.msk $0x1, v4;
	v0 =	vmov s15;
	v4 =	vmov s16;
	v2 =	vbroadcast v2, $0xF  }
0xab: {  	[tilespmem:v8+s6+$0x0] =	vst.idx.msk $0x1, v6;
	v6 =	vmov s17;
	v5 =	vpop (erf);
	v0 =	vand.u32 $0xFFFFFFFD, v0  }
0xac: {  	v6 =	vand.u32 $0xFFFFFFFE, v6;
	v8, _, _ =	vpop (xrf2);
	v0 =	vbroadcast v0, $0x0;
	[tilespmem:v7+s6+$0x0] =	vst.idx.msk $0x1, v2;
	v2 =	vmov s12  }
0xad: {  	(xrf2) =	vadd.scan.msk.f32 $0xffff, v10;
	v1 =	vbroadcast v1, $0xF;
	v6 =	vbroadcast v6, $0x0;
	v9, _, _ =	vpop (xrf2)  }
0xae: {  	[tilespmem:s8+$0x0] =	vst v63;
	(xrf2) =	vadd.scan.msk.f32 $0xffff, v5;
	v7 =	vpop (erf)  }
0xaf: {  	[tilespmem:v4+s6+$0x0] =	vst.idx.msk $0x1, v1;
	v1 =	vand.u32 $0xFFFFFFFC, v2;
	(xrf2) =	vadd.scan.msk.f32 $0xffff, v7;
	v2 =	vpop (erf)  }
0xb0: {  	[tilespmem:s5+$0x0] =	vst v5;
	v4 =	vbroadcast v8, $0xF;
	v5, _, _ =	vpop (xrf2);
	(xrf2) =	vadd.scan.msk.f32 $0xffff, v2  }
0xb1: {  	s18 =	sadd.s32 $0x1, s12;
	[tilespmem:s5+$0xFFFFFFF0] =	vst v10;
	v8 =	vbroadcast v9, $0xF;
	v1 =	vbroadcast v1, $0x0  }
0xb2: {  	s19 =	sadd.s32 $0x3, s12;
	v9 =	vpop (erf);
	[tilespmem:v0+s6+$0x0] =	vst.idx.msk $0x1, v4;
	v0 =	vmov s18  }
0xb3: {  	s20 =	sadd.s32 $0x2, s12;
	[tilespmem:v6+s6+$0x0] =	vst.idx.msk $0x1, v8;
	v4 =	vmov s19;
	v6, _, _ =	vpop (xrf2);
	v0 =	vand.u32 $0xFFFFFFFD, v0  }
0xb4: {  	(xrf2) =	vadd.scan.msk.f32 $0xffff, v9;
	v10 =	vpop (erf);
	v8 =	vmov s20;
	v6 =	vbroadcast v6, $0xF;
	v0 =	vbroadcast v0, $0x0  }
0xb5: {  	[tilespmem:s5+$0xFFFFFFE0] =	vst v3;
	(xrf2) =	vadd.scan.msk.f32 $0xffff, v10  }
0xb6: {  	[tilespmem:s7+$0x10] =	vst v7;
	v5 =	vbroadcast v5, $0xF;
	v7 =	vand.u32 $0xFFFFFFFE, v8  }
0xb7: {  	v3 =	vbroadcast v7, $0x0;
	v7 =	vmov s9;
	v8, _, _ =	vpop (xrf2);
	[tilespmem:v1+s6+$0x0] =	vst.idx.msk $0x1, v6  }
0xb8: {  	s21 =	sadd.s32 $0x1, s9;
	v1 =	vand.u32 $0xFFFFFFFC, v7;
	v6, _, _ =	vpop (xrf2);
	[tilespmem:v4+s6+$0x0] =	vst.idx.msk $0x1, v5;
	v4 =	vbroadcast v8, $0xF  }
0xb9: {  	s22 =	sadd.s32 $0x2, s9;
	s23 =	sadd.s32 $0x3, s9;
	[tilespmem:s7+$0xFFFFFFF0] =	vst v9;
	v1 =	vbroadcast v1, $0x0;
	v5 =	vmov s21;
	v8, _, _ =	vpop (xrf2)  }
0xba: {  	v9 =	vmov s23;
	v7 =	vmov s22;
	v5 =	vand.u32 $0xFFFFFFFD, v5;
	[tilespmem:v0+s6+$0x0] =	vst.idx.msk $0x1, v4;
	v0, _, _ =	vpop (xrf2)  }
0xbb: {  	[tilespmem:v14+s6+$0x0] =	vst.idx.msk $0x1, v11;
	v7 =	vand.u32 $0xFFFFFFFE, v7;
	v5 =	vbroadcast v5, $0x0;
	v0 =	vbroadcast v0, $0xF  }
0xbc: {  	[tilespmem:s7+$0xFFFFFFE0] =	vst v2;
	v6 =	vbroadcast v6, $0xF;
	v4 =	vbroadcast v7, $0x0  }
0xbd: {  	[tilespmem:s7+$0x0] =	vst v10  }
0xbe: {  	[tilespmem:v3+s6+$0x0] =	vst.idx.msk $0x1, v6;
	v3 =	vbroadcast v8, $0xF;
	v2, _, _ =	vpop (xrf2)  }
0xbf: {  	[tilespmem:v1+s6+$0x0] =	vst.idx.msk $0x1, v0;
	v1 =	vbroadcast v2, $0xF;
	v0, _, _ =	vpop (xrf2)  }
0xc0: {  	[tilespmem:v9+s6+$0x0] =	vst.idx.msk $0x1, v3;
	v0 =	vbroadcast v0, $0xF  }
0xc1: {  	[tilespmem:v5+s6+$0x0] =	vst.idx.msk $0x1, v1  }
0xc2: {  	[tilespmem:v4+s6+$0x0] =	vst.idx.msk $0x1, v0  }
0xc3: {  	v0 =	vld [tilespmem:$0x1B00];
	_ =	sdelay $0x4  }
0xc4: {  	(xrf2) =	vadd.scan.msk.f32 $0xffff, v0;
	v0 =	vimm.s32 $0xEDCBA987  }
0xc5: {  	v1 =	vimm.s32 $0x65432100;
	v0 =	vunpack.c.l.s4.s8 v0  }
0xc6: {  	v1 =	vunpack.c.l.s4.s8 v1  }
0xc7: {  	v0 =	vunpack.c.0.s8.s32 v0  }
0xc8: {  	v1 =	vunpack.c.0.s8.s32 v1  }
0xc9: {  	v0 =	vand.u32 $0xF, v0  }
0xca: {  	v0 =	vcombine.low v1, v0  }
0xcb: {  	v2 =	vld [tilespmem:$0x1B10];
	_ =	sdelay $0x2  }
0xcc: {  	v1, _, _ =	vpop (xrf2)  }
0xcd: {  	s24 =	simm.s32 $0x1A80;
	[tilespmem:$0x1A80] =	vst v1  }
0xce: {  	(xrf2) =	vadd.scan.msk.f32 $0xffff, v2;
	v2 =	vld.idx.msk [tilespmem:v0+s24+$0x0], $0xffff;
	_ =	sdelay $0x2  }
0xcf: {  	v3 =	vlaneseq.u32  }
0xd0: {  	vm0 =	veq.s32 v3, $0x0  }
0xd1: {  	v2 =	vsel vm0, $0x0, v2  }
0xd2: {  	v2 =	vadd.f32 $0.0e+00, v2  }
0xd3: {  	v4 =	vld [tilespmem:$0x1B20];
	_ =	sdelay $0x2  }
0xd4: {  	[tilespmem:$0x1B80] =	vst v2;
	v2, _, _ =	vpop (xrf2)  }
0xd5: {  	[tilespmem:$0x1A80] =	vst v2  }
0xd6: {  	(xrf2) =	vadd.scan.msk.f32 $0xffff, v4;
	v3 =	vld.idx.msk [tilespmem:v0+s24+$0x0], $0xffff;
	_ =	sdelay $0x1  }
0xd7: {  	v1 =	vadd.f32 $0.0e+00, v1;
	_ =	sdelay $0x1  }
0xd8: {  	v5 =	vbroadcast v1, $0xF  }
0xd9: {  	v3 =	vsel vm0, $0x0, v3  }
0xda: {  	v3 =	vadd.f32 v3, v5  }
0xdb: {  	v4 =	vld [tilespmem:$0x1B30];
	_ =	sdelay $0x2  }
0xdc: {  	[tilespmem:$0x1B90] =	vst v3;
	v3, _, _ =	vpop (xrf2)  }
0xdd: {  	[tilespmem:$0x1A80] =	vst v3  }
0xde: {  	(xrf2) =	vadd.scan.msk.f32 $0xffff, v4;
	v4 =	vld.idx.msk [tilespmem:v0+s24+$0x0], $0xffff;
	_ =	sdelay $0x1  }
0xdf: {  	v1 =	vadd.f32 v2, v1;
	_ =	sdelay $0x1  }
0xe0: {  	v5 =	vbroadcast v1, $0xF  }
0xe1: {  	v4 =	vsel vm0, $0x0, v4  }
0xe2: {  	v4 =	vadd.f32 v4, v5  }
0xe3: {  	v2 =	vld [tilespmem:$0x1B40];
	_ =	sdelay $0x2  }
0xe4: {  	[tilespmem:$0x1BA0] =	vst v4;
	v4, _, _ =	vpop (xrf2)  }
0xe5: {  	[tilespmem:$0x1A80] =	vst v4  }
0xe6: {  	(xrf2) =	vadd.scan.msk.f32 $0xffff, v2;
	v2 =	vld.idx.msk [tilespmem:v0+s24+$0x0], $0xffff;
	_ =	sdelay $0x1  }
0xe7: {  	v1 =	vadd.f32 v3, v1;
	_ =	sdelay $0x1  }
0xe8: {  	v5 =	vbroadcast v1, $0xF  }
0xe9: {  	v2 =	vsel vm0, $0x0, v2  }
0xea: {  	v2 =	vadd.f32 v2, v5  }
0xeb: {  	v3 =	vld [tilespmem:$0x1B50];
	_ =	sdelay $0x2  }
0xec: {  	[tilespmem:$0x1BB0] =	vst v2;
	v2, _, _ =	vpop (xrf2)  }
0xed: {  	[tilespmem:$0x1A80] =	vst v2  }
0xee: {  	(xrf2) =	vadd.scan.msk.f32 $0xffff, v3;
	v3 =	vld.idx.msk [tilespmem:v0+s24+$0x0], $0xffff;
	_ =	sdelay $0x1  }
0xef: {  	v1 =	vadd.f32 v4, v1;
	_ =	sdelay $0x1  }
0xf0: {  	v5 =	vbroadcast v1, $0xF  }
0xf1: {  	v3 =	vsel vm0, $0x0, v3  }
0xf2: {  	v3 =	vadd.f32 v3, v5  }
0xf3: {  	v4 =	vld [tilespmem:$0x1B60];
	_ =	sdelay $0x2  }
0xf4: {  	[tilespmem:$0x1BC0] =	vst v3;
	v3, _, _ =	vpop (xrf2)  }
0xf5: {  	[tilespmem:$0x1A80] =	vst v3  }
0xf6: {  	(xrf2) =	vadd.scan.msk.f32 $0xffff, v4;
	v4 =	vld.idx.msk [tilespmem:v0+s24+$0x0], $0xffff;
	_ =	sdelay $0x1  }
0xf7: {  	v1 =	vadd.f32 v2, v1;
	_ =	sdelay $0x1  }
0xf8: {  	v5 =	vbroadcast v1, $0xF  }
0xf9: {  	v4 =	vsel vm0, $0x0, v4  }
0xfa: {  	v4 =	vadd.f32 v4, v5  }
0xfb: {  	v2 =	vld [tilespmem:$0x1B70];
	_ =	sdelay $0x2  }
0xfc: {  	[tilespmem:$0x1BD0] =	vst v4;
	v4, _, _ =	vpop (xrf2)  }
0xfd: {  	[tilespmem:$0x1A80] =	vst v4  }
0xfe: {  	(xrf2) =	vadd.scan.msk.f32 $0xffff, v2;
	v2 =	vld.idx.msk [tilespmem:v0+s24+$0x0], $0xffff;
	_ =	sdelay $0x1  }
0xff: {  	v1 =	vadd.f32 v3, v1;
	_ =	sdelay $0x1  }
0x100: {  	v3 =	vbroadcast v1, $0xF  }
0x101: {  	v2 =	vsel vm0, $0x0, v2  }
0x102: {  	v2 =	vadd.f32 v2, v3;
	_ =	sdelay $0x3  }
0x103: {  	[tilespmem:$0x1BE0] =	vst v2;
	v2, _, _ =	vpop (xrf2)  }
0x104: {  	[tilespmem:$0x1A80] =	vst v2  }
0x105: {  	v0 =	vld.idx.msk [tilespmem:v0+s24+$0x0], $0xffff;
	_ =	sdelay $0x1  }
0x106: {  	v1 =	vadd.f32 v4, v1;
	_ =	sdelay $0x1  }
0x107: {  	v1 =	vbroadcast v1, $0xF  }
0x108: {  	v0 =	vsel vm0, $0x0, v0  }
0x109: {  	s25 =	simm.s32 $0x0;
	v0 =	vadd.f32 v0, v1  }
0x10a: {  	s26 =	simm.s32 $0x1;
	v2 =	vmov s25  }
0x10b: {  	s28 =	simm.s32 $0x20;
	v1 =	vand.u32 $0xFFFFFFFC, v2;
	v2 =	vmov s26;
	[tilespmem:$0x1BF0] =	vst v0  }
0x10c: {  	v1 =	vbroadcast v1, $0x0;
	v2 =	vand.u32 $0xFFFFFFFD, v2;
	v3 =	vld [tilespmem:s28+$0x10]  }
0x10d: {  	v2 =	vbroadcast v2, $0x0;
	v5 =	vld [tilespmem:s28+$0xFFFFFFE0]  }
0x10e: {  	v7 =	vld [tilespmem:s28+$0xFFFFFFF0]  }
0x10f: {  	s7 =	simm.s32 $0x820;
	v10 =	vld [tilespmem:s28+$0x0]  }
0x110: {  	v8 =	vld [tilespmem:s7+$0x11]  }
0x111: {  	s5 =	simm.s32 $0x1B80;
	v6 =	vld [tilespmem:s7+$0xFFFFFFE1];
	(xrf2) =	vadd.scan.msk.f32 $0xffff, v3  }
0x112: {  	s29 =	simm.s32 $0x3;
	s30 =	simm.s32 $0x2;
	v0 =	vld.idx.msk [tilespmem:v1+s5+$0x0], $0xffff  }
0x113: {  	v1 =	vmov s29;
	v4 =	vld.idx.msk [tilespmem:v2+s5+$0x0], $0xffff;
	v2 =	vmov s30  }
0x114: {  	v3 =	vld [tilespmem:s7+$0x10];
	v9 =	vand.u32 $0xFFFFFFFE, v2  }
0x115: {  	v14 =	vld [tilespmem:s7+$0xFFFFFFF1];
	(xrf2) =	vadd.scan.msk.f32 $0xffff, v5;
	v11 =	vbroadcast v9, $0x0  }
0x116: {  	v2 =	vld [tilespmem:s7+$0xFFFFFFF0]  }
0x117: {  	v5 =	vld [tilespmem:s7+$0xFFFFFFE0]  }
0x118: {  	s8 =	simm.s32 $0x4;
	(xrf2) =	vadd.scan.msk.f32 $0xffff, v7;
	v13 =	vld.idx.msk [tilespmem:v1+s5+$0x0], $0xffff  }
0x119: {  	s31 =	simm.s32 $0x5;
	v12 =	vmov s8;
	v9 =	vld [tilespmem:s7+$0x1];
	vm1 =	vne.s32 v3, v8  }
0x11a: {  	v12 =	vand.u32 $0xFFFFFFFC, v12;
	v15 =	vmov s31;
	v1 =	vld [tilespmem:s7+$0x0]  }
0x11b: {  	v8 =	vbroadcast v12, $0x0;
	v12 =	vand.u32 $0xFFFFFFFD, v15;
	v7 =	vld.idx.msk [tilespmem:v11+s5+$0x0], $0xffff;
	v11, _, _ =	vpop (xrf2);
	(xrf2) =	vadd.scan.msk.f32 $0xffff, v10  }
0x11c: {  	s9 =	simm.s32 $0x60;
	v10 =	vbroadcast v12, $0x0  }
0x11d: {  	s10 =	simm.s32 $0x8;
	s6 =	simm.s32 $0x1080;
	vm0 =	vne.s32 v2, v14;
	v12 =	vld [tilespmem:s9+$0x10];
	v11 =	vadd.f32 v11, v13  }
.LBB2_8:
0x11e: {  	p0 =	slt.u32 s10, $0x7C;
	v13 =	vld [tilespmem:s9+$0xFFFFFFE0]  }
0x11f: {  	v14 =	vld [tilespmem:s9+$0xFFFFFFF0];
	vm2 =	vne.s32 v1, v9;
	[tilespmem:v3+s6+$0x0] =	vst.idx.msk vm1, v11;
	v3, _, _ =	vpop (xrf2)  }
0x120: {  	v11 =	vld [tilespmem:s9+$0x0];
	v9 =	vadd.f32 v3, v0;
	vm1 =	vne.s32 v5, v6  }
0x121: {  	s11 =	sadd.s32 $0x3, s8;
	v0 =	vld.idx.msk [tilespmem:v8+s5+$0x0], $0xffff  }
0x122: {  	s7 =	sadd.s32 $0x40, s7;
	v8 =	vld.idx.msk [tilespmem:v10+s5+$0x0], $0xffff;
	v10 =	vmov s11;
	(xrf2) =	vadd.scan.msk.f32 $0xffff, v12;
	v6, _, _ =	vpop (xrf2)  }
0x123: {  	s11 =	sadd.s32 $0x2, s8;
	s8 =	smov.u32 s10;
	v3 =	vld [tilespmem:s7+$0x10];
	v16 =	vadd.f32 v6, v4  }
0x124: {  	v12 =	vmov s11;
	v15 =	vld [tilespmem:s7+$0x11]  }
0x125: {  	v12 =	vand.u32 $0xFFFFFFFE, v12;
	v6 =	vld [tilespmem:s7+$0xFFFFFFE1];
	(xrf2) =	vadd.scan.msk.f32 $0xffff, v13;
	[tilespmem:v2+s6+$0x0] =	vst.idx.msk vm0, v16;
	v4, _, _ =	vpop (xrf2)  }
0x126: {  	v12 =	vbroadcast v12, $0x0;
	v2 =	vld [tilespmem:s7+$0xFFFFFFF0];
	[tilespmem:v5+s6+$0x0] =	vst.idx.msk vm1, v9;
	v5 =	vadd.f32 v4, v7  }
0x127: {  	v13 =	vld.idx.msk [tilespmem:v10+s5+$0x0], $0xffff  }
0x128: {  	v4 =	vmov v8;
	v16 =	vld [tilespmem:s7+$0xFFFFFFF1];
	(xrf2) =	vadd.scan.msk.f32 $0xffff, v14;
	[tilespmem:v1+s6+$0x0] =	vst.idx.msk vm2, v5  }
.Ltmp4:
0x129: {  	s11 =	sadd.s32 $0x1, s10;
	v5 =	vmov s10;
	v1 =	vld [tilespmem:s7+$0x0];
	vm1 =	vne.s32 v3, v15;
	(pc) =	sbr.rel @p0 .LBB2_8-.Ltmp4, $4  }
0x12a: {  	v7 =	vmov s11;
	v5 =	vand.u32 $0xFFFFFFFC, v5;
	v9 =	vld [tilespmem:s7+$0x1]  }
0x12b: {  	v7 =	vand.u32 $0xFFFFFFFD, v7;
	v8 =	vbroadcast v5, $0x0;
	v5 =	vld [tilespmem:s7+$0xFFFFFFE0];
	(xrf2) =	vadd.scan.msk.f32 $0xffff, v11  }
0x12c: {  	s9 =	sadd.s32 $0x40, s9;
	v10 =	vbroadcast v7, $0x0;
	v7 =	vld.idx.msk [tilespmem:v12+s5+$0x0], $0xffff;
	v11, _, _ =	vpop (xrf2)  }
0x12d: {  	s10 =	sadd.s32 $0x4, s10;
	v12 =	vld [tilespmem:s9+$0x10];
	vm0 =	vne.s32 v2, v16;
	v11 =	vadd.f32 v11, v13  }
0x12e: {  	v13 =	vld [tilespmem:s9+$0xFFFFFFE0]  }
0x12f: {  	v14 =	vld [tilespmem:s9+$0xFFFFFFF0]  }
0x130: {  	v15 =	vld [tilespmem:s9+$0x0];
	s7 =	sadd.s32 $0x40, s7  }
0x131: {  	v16 =	vld [tilespmem:s7+$0x10]  }
0x132: {  	v56 =	vld [tilespmem:s7+$0x11];
	(xrf2) =	vadd.scan.msk.f32 $0xffff, v12  }
0x133: {  	s22 =	sadd.s32 $0x3, s8;
	s23 =	sadd.s32 $0x2, s8;
	v17 =	vld [tilespmem:s7+$0xFFFFFFE1];
	(xrf2) =	vadd.scan.msk.f32 $0xffff, v13  }
0x134: {  	v57 =	vmov s22;
	v18 =	vmov s23;
	v19 =	vld [tilespmem:s7+$0xFFFFFFF0];
	(xrf2) =	vadd.scan.msk.f32 $0xffff, v14  }
0x135: {  	v59 =	vld [tilespmem:s7+$0xFFFFFFF1];
	v58 =	vand.u32 $0xFFFFFFFE, v18  }
0x136: {  	v20 =	vld [tilespmem:s7+$0x0];
	v14 =	vbroadcast v58, $0x0;
	(xrf2) =	vadd.scan.msk.f32 $0xffff, v15  }
0x137: {  	v60 =	vld [tilespmem:s7+$0xFFFFFFE0];
	v21, _, _ =	vpop (xrf2)  }
0x138: {  	vm2 =	vne.s32 v5, v6;
	v6 =	vld [tilespmem:s7+$0x1];
	v61, _, _ =	vpop (xrf2)  }
0x139: {  	vm3 =	vne.s32 v1, v9;
	v4 =	vadd.f32 v61, v4;
	v9 =	vld.idx.msk [tilespmem:v57+s5+$0x0], $0xffff  }
0x13a: {  	v10 =	vld.idx.msk [tilespmem:v10+s5+$0x0], $0xffff;
	vm4 =	vne.s32 v16, v56  }
0x13b: {  	v8 =	vld.idx.msk [tilespmem:v8+s5+$0x0], $0xffff;
	[tilespmem:v3+s6+$0x0] =	vst.idx.msk vm1, v11;
	v0 =	vadd.f32 v21, v0;
	vm5 =	vne.s32 v19, v59;
	v62, _, _ =	vpop (xrf2)  }
0x13c: {  	vm12 =	vne.s32 v60, v17;
	[tilespmem:v2+s6+$0x0] =	vst.idx.msk vm0, v4;
	v2 =	vadd.f32 v62, v7;
	v3 =	vld.idx.msk [tilespmem:v14+s5+$0x0], $0xffff;
	v11, _, _ =	vpop (xrf2)  }
0x13d: {  	vm13 =	vne.s32 v20, v6;
	v4, _, _ =	vpop (xrf2)  }
0x13e: {  	[tilespmem:v5+s6+$0x0] =	vst.idx.msk vm2, v0;
	v0 =	vadd.f32 v11, v9;
	v5, _, _ =	vpop (xrf2)  }
0x13f: {  	[tilespmem:v1+s6+$0x0] =	vst.idx.msk vm3, v2;
	v1 =	vadd.f32 v5, v10  }
0x140: {  	[tilespmem:v16+s6+$0x0] =	vst.idx.msk vm4, v0;
	v0 =	vadd.f32 v4, v8;
	v2, _, _ =	vpop (xrf2)  }
0x141: {  	[tilespmem:v19+s6+$0x0] =	vst.idx.msk vm5, v1;
	v1 =	vadd.f32 v2, v3  }
0x142: {  	[tilespmem:v60+s6+$0x0] =	vst.idx.msk vm12, v0  }
0x143: {  	[tilespmem:v20+s6+$0x0] =	vst.idx.msk vm13, v1  }
0x144: {  	v0 =	vld [tilespmem:$0x1080]  }
0x145: {  	v1 =	vimm.s32 $0xEDCBA987  }
0x146: {  	v2 =	vimm.s32 $0x65432100;
	v1 =	vunpack.c.l.s4.s8 v1  }
0x147: {  	v2 =	vunpack.c.l.s4.s8 v2  }
0x148: {  	v1 =	vunpack.c.0.s8.s32 v1  }
0x149: {  	v2 =	vunpack.c.0.s8.s32 v2;
	(xrf0) =	vmax.scan.msk.f32 $0xffff, v0  }
0x14a: {  	v1 =	vand.u32 $0xF, v1  }
0x14b: {  	v1 =	vcombine.low v2, v1;
	_ =	sdelay $0x3  }
0x14c: {  	v2, _, _ =	vpop (xrf0)  }
0x14d: {  	s24 =	simm.s32 $0x1A80;
	[tilespmem:$0x1A80] =	vst v2  }
0x14e: {  	v1 =	vld.idx.msk [tilespmem:v1+s24+$0x0], $0xffff;
	_ =	sdelay $0x2  }
0x14f: {  	v2 =	vlaneseq.u32  }
0x150: {  	vm14 =	veq.s32 v2, $0x0  }
0x151: {  	v1 =	vsel vm14, $0x0, v1  }
0x152: {  	v1 =	vsub.f32 v0, v1  }
0x153: {  	vm15 =	veq.f32 v0, $0.0e+00  }
0x154: {  	v0 =	vsel vm15, $0x0, v1  }
0x155: {  	s25 =	simm.s32 $0x1080;
	s26 =	simm.s32 $0x1;
	[tilespmem:$0x1080] =	vst v0  }
0x156: {  	[spmem:s4] =	stream.linear.scatter [tilespmem:s25], [sflag:$0x1], $0x10, $0x38;
	[tilespmem:$0x1C20] =	vst v63  }
0x157: {  	_ =	swait.ge [sflag:s26], $0x10  }
0x158: {  	[sflag:s26] =	ssyncset.done $0x0  }
0x159: {  	[sflag:s26] =	ssyncadd.s32 $0xFFFFFFF0  }
0x15a: {  	s28 =	simm.s32 $0x1100;
	[bflag:$0x0] =	sbarrier.arrive $0xFFFF  }
0x15b: {  	[tilespmem:s28], [sflag:$0x1] =	stream.linear.gather [spmem:s2], $0x100, $0x38;
	[tilespmem:$0x1C20] =	vst v63  }
0x15c: {  	_ =	swait.ge [sflag:s26], $0x100  }
0x15d: {  	[sflag:s26] =	ssyncset.done $0x0  }
0x15e: {  	[sflag:s26] =	ssyncadd.s32 $0xFFFFFF00  }
0x15f: {  	v0 =	vld [tilespmem:$0x1100]  }
0x160: {  	v1 =	vld [tilespmem:$0x1110];
	_ =	sdelay $0x1  }
0x161: {  	v2 =	vld [tilespmem:$0x1120];
	_ =	sdelay $0x1  }
0x162: {  	v3 =	vld [tilespmem:$0x1130]  }
0x163: {  	v0 =	vadd.f32 v1, v0  }
0x164: {  	v1 =	vld [tilespmem:$0x1140]  }
0x165: {  	v0 =	vadd.f32 v2, v0  }
0x166: {  	v2 =	vld [tilespmem:$0x1150]  }
0x167: {  	v0 =	vadd.f32 v3, v0  }
0x168: {  	v3 =	vld [tilespmem:$0x1160]  }
0x169: {  	v0 =	vadd.f32 v1, v0  }
0x16a: {  	v1 =	vld [tilespmem:$0x1170]  }
0x16b: {  	v0 =	vadd.f32 v2, v0  }
0x16c: {  	v2 =	vld [tilespmem:$0x1180]  }
0x16d: {  	v0 =	vadd.f32 v3, v0  }
0x16e: {  	v3 =	vld [tilespmem:$0x1190]  }
0x16f: {  	v0 =	vadd.f32 v1, v0  }
0x170: {  	v1 =	vld [tilespmem:$0x11A0]  }
0x171: {  	v0 =	vadd.f32 v2, v0  }
0x172: {  	v2 =	vld [tilespmem:$0x11B0]  }
0x173: {  	v0 =	vadd.f32 v3, v0  }
0x174: {  	v3 =	vld [tilespmem:$0x11C0]  }
0x175: {  	v0 =	vadd.f32 v1, v0  }
0x176: {  	v1 =	vld [tilespmem:$0x11D0]  }
0x177: {  	v0 =	vadd.f32 v2, v0  }
0x178: {  	v2 =	vld [tilespmem:$0x11E0]  }
0x179: {  	v0 =	vadd.f32 v3, v0  }
0x17a: {  	v3 =	vld [tilespmem:$0x11F0]  }
0x17b: {  	v0 =	vadd.f32 v1, v0;
	_ =	sdelay $0x1  }
0x17c: {  	v0 =	vadd.f32 v2, v0;
	_ =	sdelay $0x1  }
0x17d: {  	v0 =	vadd.f32 v3, v0;
	_ =	sdelay $0x1  }
0x17e: {  	(erf) = vrcp.f32 v0;
	_ =	sdelay $0x8  }
0x17f: {  	v0 =	vpop (erf)  }
0x180: {  	s29 =	simm.s32 $0x820;
	[tilespmem:$0x1200] =	vst v0  }
0x181: {  	v0 =	vld [tilespmem:s29+$0x10]  }
0x182: {  	v1 =	vld [tilespmem:s29+$0xFFFFFFF0]  }
0x183: {  	v2 =	vld [tilespmem:s29+$0xFFFFFFE0]  }
0x184: {  	s30 =	simm.s32 $0x20;
	v3 =	vld [tilespmem:s29+$0x0]  }
0x185: {  	s31 =	simm.s32 $0x860;
	v6 =	vld [tilespmem:s30+$0x10]  }
0x186: {  	v4 =	vld [tilespmem:s31+$0x10]  }
0x187: {  	v9 =	vld [tilespmem:s31+$0xFFFFFFF0]  }
0x188: {  	v10 =	vld [tilespmem:s31+$0xFFFFFFE0]  }
0x189: {  	v11 =	vld [tilespmem:s30+$0xFFFFFFE0]  }
0x18a: {  	v63 =	vld [tilespmem:s30+$0xFFFFFFF0]  }
0x18b: {  	s2 =	simm.s32 $0x1200;
	v5 =	vld [tilespmem:s30+$0x0]  }
0x18c: {  	v0 =	vld.idx.msk [tilespmem:v0+s2+$0x0], $0xffff  }
0x18d: {  	v8 =	vld.idx.msk [tilespmem:v1+s2+$0x0], $0xffff  }
0x18e: {  	v7 =	vld.idx.msk [tilespmem:v2+s2+$0x0], $0xffff  }
0x18f: {  	v1 =	vld [tilespmem:s31+$0x0]  }
0x190: {  	v2 =	vld.idx.msk [tilespmem:v3+s2+$0x0], $0xffff  }
0x191: {  	s5 =	simm.s32 $0x60;
	v4 =	vld.idx.msk [tilespmem:v4+s2+$0x0], $0xffff  }
0x192: {  	v0 =	vmul.f32 v6, v0;
	v6 =	vld [tilespmem:s5+$0x10]  }
0x193: {  	s4 =	simm.s32 $0x12A0;
	v3 =	vld.idx.msk [tilespmem:v9+s2+$0x0], $0xffff;
	v7 =	vmul.f32 v11, v7  }
0x194: {  	s7 =	simm.s32 $0x8A0;
	s6 =	simm.s32 $0x4;
	v8 =	vmul.f32 v63, v8;
	[tilespmem:s4+$0x10] =	vst v0;
	v0 =	vld.idx.msk [tilespmem:v10+s2+$0x0], $0xffff  }
.LBB2_10:
0x195: {  	v9 =	vld [tilespmem:s7+$0x10];
	s6 =	sadd.s32 $0x4, s6;
	[tilespmem:s4+$0xFFFFFFE0] =	vst v7;
	v2 =	vmul.f32 v5, v2  }
0x196: {  	v7 =	vld [tilespmem:s7+$0xFFFFFFF0];
	p0 =	slt.u32 s6, $0x7C;
	[tilespmem:s4+$0xFFFFFFF0] =	vst v8  }
0x197: {  	v8 =	vld [tilespmem:s7+$0x0];
	v4 =	vmul.f32 v6, v4;
	[tilespmem:s4+$0x0] =	vst v2  }
0x198: {  	s4 =	sadd.s32 $0x40, s4;
	v10 =	vld [tilespmem:s7+$0xFFFFFFE0]  }
0x199: {  	v11 =	vmov v3;
	v2 =	vld.idx.msk [tilespmem:v1+s2+$0x0], $0xffff;
	[tilespmem:s4+$0x10] =	vst v4  }
0x19a: {  	v12 =	vld [tilespmem:s5+$0xFFFFFFE0]  }
0x19b: {  	v13 =	vld [tilespmem:s5+$0xFFFFFFF0]  }
.Ltmp5:
0x19c: {  	v5 =	vld [tilespmem:s5+$0x0];
	v1 =	vmov v8;
	(pc) =	sbr.rel @p0 .LBB2_10-.Ltmp5, $4  }
0x19d: {  	s5 =	sadd.s32 $0x40, s5;
	v4 =	vld.idx.msk [tilespmem:v9+s2+$0x0], $0xffff  }
0x19e: {  	v6 =	vld [tilespmem:s5+$0x10]  }
0x19f: {  	v3 =	vld.idx.msk [tilespmem:v7+s2+$0x0], $0xffff;
	v7 =	vmul.f32 v12, v0  }
0x1a0: {  	s7 =	sadd.s32 $0x40, s7;
	v0 =	vld.idx.msk [tilespmem:v10+s2+$0x0], $0xffff;
	v8 =	vmul.f32 v13, v11  }
0x1a1: {  	_ =	sdelay $0x3  }
0x1a2: {  	v1 =	vld.idx.msk [tilespmem:v1+s2+$0x0], $0xffff  }
0x1a3: {  	v9 =	vld [tilespmem:s5+$0xFFFFFFE0]  }
0x1a4: {  	v10 =	vld [tilespmem:s5+$0xFFFFFFF0]  }
0x1a5: {  	v11 =	vld [tilespmem:s5+$0x0]  }
0x1a6: {  	[tilespmem:s4+$0xFFFFFFE0] =	vst v7;
	v2 =	vmul.f32 v5, v2  }
0x1a7: {  	[tilespmem:s4+$0xFFFFFFF0] =	vst v8;
	v4 =	vmul.f32 v6, v4  }
0x1a8: {  	s28 =	sadd.s32 $0x40, s4;
	[tilespmem:s4+$0x0] =	vst v2;
	v0 =	vmul.f32 v9, v0  }
0x1a9: {  	[tilespmem:s28+$0x10] =	vst v4;
	v62 =	vmul.f32 v10, v3  }
0x1aa: {  	v63 =	vmul.f32 v11, v1;
	[tilespmem:s28+$0xFFFFFFE0] =	vst v0  }
0x1ab: {  	[tilespmem:s28+$0xFFFFFFF0] =	vst v62  }
0x1ac: {  	s29 =	simm.s32 $0x0;
	s30 =	simm.s32 $0x1280;
	s31 =	simm.s32 $0x1;
	[tilespmem:s28+$0x0] =	vst v63  }
0x1ad: {  	[hbm4b:s3+s29] =	stream.linear.scatter [tilespmem:s30], [sflag:$0x1], $0x800, $0x38;
	[tilespmem:$0x1C20] =	vst v63  }
0x1ae: {  	_ =	swait.ge [sflag:s31], $0x800  }
0x1af: {  	[sflag:s31] =	ssyncset.done $0x0  }
0x1b0: {  	[sflag:s31] =	ssyncadd.s32 $0xFFFFF800  }
0x1b1: {  	_ =	sfence.sel $0x180000  }
0x1b2: {  	[bflag:$0x0] =	sbarrier.arrive $0xFFFF  }
0x1b3: {  	p0 =	sne.s32 s1, $0x0;
	_ =	strace $0x90000047  }
0x1b4: {  	s0 =	sadd.s32 @!p0 $0x100000, s0;
	[bflag:$0x2] =	sbarrier.arrive $0xFFFF  }
0x1b5: {  	[sflag:s0] =	ssyncadd.tile.s32 @!p0 $0x1;
	_ =	shalt  }
.Lfunc_end2:
_tile_overlayer_lowered:
.L_overlay_start_2:
0x1b6: {  	(tag) =	ssettag $0x2  }
0x1b7: {  	s0 =	rddreg [dreg:$0x0];
	s2 =	stileid.u32  }
0x1b8: {  	s1 =	rddreg [dreg:$0x1];
	p0 =	sne.s32 s2, $0x0  }
0x1b9: {  	s3 =	rddreg [dreg:$0x2];
	[bflag:$0x3] =	sbarrier.arrive $0xFFFF;
	s2 =	simm.s32 @!p0 $0x1C01  }
0x1ba: {  	[timem:s3], [sflag:s2] =	dma.local @!p0 [hbm:s0], s1  }
0x1bb: {  	s0 =	simm.s32 @!p0 $0x1  }
0x1bc: {  	_ =	swait.ge @!p0 [sflag:s0], s1  }
0x1bd: {  	s1 =	ssub.s32 @!p0 $0x0, s1;
	[sflag:s0] =	ssyncset.done @!p0 $0x0  }
0x1be: {  	[sflag:s0] =	ssyncadd.s32 @!p0 s1  }
0x1bf: {  	[bflag:$0x3] =	sbarrier.arrive $0xFFFF  }
0x1c0: {  	_ =	shalt  }

</sc_bundles>
